<compile_context>
chip_gen: v7x
topology: tpu7x:2x2x1
jax: 0.10.2.dev20260603
libtpu: 0.0.44.dev20260713+nightly
codegen_flags: <defaults>
</compile_context>

<pallas_src>
import jax
import jax.numpy as jnp
from jax import lax
from jax.experimental import pallas as pl
from jax.experimental.pallas import tpu as pltpu, tpu_sc as plsc

N_ROWS = 16384
N_COLS = 200
NC = 2
NS = 16
NW = NC * NS
ROWS_PER_W = N_ROWS // NW
CHUNK_ROWS = 128
N_CHUNKS = ROWS_PER_W // CHUNK_ROWS
N_PAIRS = N_CHUNKS // 2

_OFFS = tuple(range(0, N_COLS - 16, 16)) + (N_COLS - 16,)


def _map16(x):
    in_table = plsc.bitcast(x, jnp.uint32) < jnp.uint32(1000)
    y = jnp.where(in_table, x + 2, jnp.full((16,), 1, jnp.int32))
    return jnp.where(x == 1, jnp.full((16,), 0, jnp.int32), y)


def _sc_body(in_hbm, out_hbm, in_v0, in_v1, out_v0, out_v1,
             sem_i0, sem_i1, sem_o0, sem_o1):
    wid = lax.axis_index("s") * NC + lax.axis_index("c")
    base = wid * ROWS_PER_W
    in_bufs = (in_v0, in_v1)
    out_bufs = (out_v0, out_v1)
    in_sems = (sem_i0, sem_i1)
    out_sems = (sem_o0, sem_o1)

    def start_in(t, slot):
        row0 = base + t * CHUNK_ROWS
        pltpu.async_copy(
            in_hbm.at[pl.ds(row0, CHUNK_ROWS)], in_bufs[slot], in_sems[slot])

    def start_out(t, slot):
        row0 = base + t * CHUNK_ROWS
        pltpu.async_copy(
            out_bufs[slot], out_hbm.at[pl.ds(row0, CHUNK_ROWS)],
            out_sems[slot])

    def wait_in(slot):
        pltpu.make_async_copy(
            in_hbm.at[pl.ds(base, CHUNK_ROWS)], in_bufs[slot],
            in_sems[slot]).wait()

    def wait_out(slot):
        pltpu.make_async_copy(
            out_bufs[slot], out_hbm.at[pl.ds(base, CHUNK_ROWS)],
            out_sems[slot]).wait()

    def compute(slot):
        src = in_bufs[slot]
        dst = out_bufs[slot]

        @plsc.parallel_loop(0, CHUNK_ROWS, 1, unroll=4)
        def row_body(r):
            for o in _OFFS:
                dst[r, pl.ds(o, 16)] = _map16(src[r, pl.ds(o, 16)])

    start_in(0, 0)

    def pair_body(g, carry):
        t0 = 2 * g
        start_in(t0 + 1, 1)
        wait_in(0)

        @pl.when(g > 0)
        def _():
            wait_out(0)

        compute(0)
        start_out(t0, 0)

        @pl.when(g < N_PAIRS - 1)
        def _():
            start_in(t0 + 2, 0)

        wait_in(1)

        @pl.when(g > 0)
        def _():
            wait_out(1)

        compute(1)
        start_out(t0 + 1, 1)
        return carry

    lax.fori_loop(0, N_PAIRS, pair_body, 0)
    wait_out(0)
    wait_out(1)


def kernel(inputs):
    inputs = inputs.astype(jnp.int32)
    mesh = plsc.VectorSubcoreMesh(core_axis_name="c", subcore_axis_name="s")
    f = pl.kernel(
        _sc_body,
        mesh=mesh,
        out_type=jax.ShapeDtypeStruct((N_ROWS, N_COLS), jnp.int32),
        scratch_types=[
            pltpu.VMEM((CHUNK_ROWS, N_COLS), jnp.int32),
            pltpu.VMEM((CHUNK_ROWS, N_COLS), jnp.int32),
            pltpu.VMEM((CHUNK_ROWS, N_COLS), jnp.int32),
            pltpu.VMEM((CHUNK_ROWS, N_COLS), jnp.int32),
            pltpu.SemaphoreType.DMA,
            pltpu.SemaphoreType.DMA,
            pltpu.SemaphoreType.DMA,
            pltpu.SemaphoreType.DMA,
        ],
    )
    return f(inputs)

# --- scband reference (transcript-rebuilt; emitter-appended) ---
"""Pipeline reference for scband-vocabulary-layer-26268019982629 (READ-ONLY COPY).

The authoritative reference and input builder live on the scoring server;
editing this copy changes nothing except your own understanding.
"""

import jax, jax.numpy as jnp
import numpy as np

# Mirrors VocabularyLayer(keys=list(range(1000)), mask_value=1):
# StaticHashTable maps keys -> values in [2, len(keys)+2), default_value=1.
KEYS = np.arange(1000, dtype=np.int32)
VALUES = np.arange(2, 1002, dtype=np.int32)
MASK_VALUE = 1

def setup_inputs(seed: int = 0):
    key = jax.random.key(seed)
    inputs = jax.random.randint(key, (16384, 200), 0, 1000, dtype=jnp.int32)
    return {"inputs": inputs}

def reference(inputs):
    inputs = inputs.astype(jnp.int32)
    # Dense lookup array emulating tf.lookup.StaticHashTable with default 1
    table = jnp.full((1001,), 1, dtype=jnp.int32)
    table = table.at[jnp.asarray(KEYS)].set(jnp.asarray(VALUES))
    clipped = jnp.clip(inputs, 0, 1000)
    idx = jnp.take(table, clipped, axis=0)
    # keys outside [0, 1000) map to the default value 1 (none occur with this fill)
    in_table = (inputs >= 0) & (inputs < 1000)
    idx = jnp.where(in_table, idx, jnp.ones_like(idx))
    # mask_value branch: positions equal to mask_value are zeroed
    mask = jnp.not_equal(inputs, MASK_VALUE)
    idx = jnp.where(mask, idx, jnp.zeros_like(idx))
    return idx

if __name__ == "__main__":
    import jax
    _d = setup_inputs()
    print(jax.jit(kernel)(*tuple(_d.values())))

</pallas_src>

<mosaic_0001>
#map = affine_map<(d0, d1) -> (0, 0)>
module attributes {stable_mosaic.version = 14 : i64} {
  func.func @_sc_body(%arg0: i32, %arg1: i32, %arg2: memref<16384x200xi32, #tpu.memory_space<hbm>>, %arg3: memref<16384x200xi32, #tpu.memory_space<hbm>>, %arg4: memref<128x200xi32, #tpu.memory_space<vmem>>, %arg5: memref<128x200xi32, #tpu.memory_space<vmem>>, %arg6: memref<128x200xi32, #tpu.memory_space<vmem>>, %arg7: memref<128x200xi32, #tpu.memory_space<vmem>>, %arg8: memref<!tpu.dma_semaphore, #tpu.memory_space<semaphore_mem>>, %arg9: memref<!tpu.dma_semaphore, #tpu.memory_space<semaphore_mem>>, %arg10: memref<!tpu.dma_semaphore, #tpu.memory_space<semaphore_mem>>, %arg11: memref<!tpu.dma_semaphore, #tpu.memory_space<semaphore_mem>>) attributes {dimension_semantics = [#tpu.dimension_semantics<core_parallel>, #tpu.dimension_semantics<subcore_parallel>], iteration_bounds = array<i64: 2, 16>, scalar_prefetch = 0 : i64, scratch_operands = 8 : i64, tpu.core_type = #tpu.core_type<sc_vector_subcore>, window_params = [{transform_indices = #map}, {transform_indices = #map}]} {
    %mul3A = arith.constant 2 : i32
    %mul3A_0 = arith.muli %arg1, %mul3A : i32
    %add3A = arith.addi %mul3A_0, %arg0 : i32
    %mul3A_1 = arith.constant 512 : i32
    %mul3A_2 = arith.muli %add3A, %mul3A_1 : i32
    %add3A_3 = arith.constant 0 : i32
    %add3A_4 = arith.addi %mul3A_2, %add3A_3 : i32
    %dma_start3A = arith.constant 0 : i32
    %dma_start3A_5 = tpu.memref_slice %arg2[%add3A_4, %dma_start3A] : memref<16384x200xi32, #tpu.memory_space<hbm>> -> memref<128x200xi32, #tpu.memory_space<hbm>>
    %dma_start3A_6 = arith.constant 0 : i32
    %dma_start3A_7 = tpu.memref_slice %arg2[%add3A_4, %dma_start3A_6] : memref<16384x200xi32, #tpu.memory_space<hbm>> -> memref<128x200xi32, #tpu.memory_space<hbm>>
    tpu.enqueue_dma source(%dma_start3A_7 : memref<128x200xi32, #tpu.memory_space<hbm>>) target(%arg4 : memref<128x200xi32, #tpu.memory_space<vmem>>) target_semaphore(%arg8 : memref<!tpu.dma_semaphore, #tpu.memory_space<semaphore_mem>>)
    %scan3A = arith.constant 0 : i32
    %scan3A_8 = arith.constant 0 : i32
    %scan3A_9 = arith.constant 2 : i32
    %scan3A_10 = arith.addi %scan3A_8, %scan3A_9 : i32
    %scan3A_11 = arith.constant 1 : i32
    scf.for %scan3A_20 = %scan3A_8 to %scan3A_10 step %scan3A_11  : i32 {
      %mul3A_21 = arith.constant 2 : i32
      %mul3A_22 = arith.muli %mul3A_21, %scan3A_20 : i32
      %add3A_23 = arith.constant 1 : i32
      %add3A_24 = arith.addi %mul3A_22, %add3A_23 : i32
      %mul3A_25 = arith.constant 128 : i32
      %mul3A_26 = arith.muli %add3A_24, %mul3A_25 : i32
      %add3A_27 = arith.addi %mul3A_2, %mul3A_26 : i32
      %dma_start3A_28 = arith.constant 0 : i32
      %dma_start3A_29 = tpu.memref_slice %arg2[%add3A_27, %dma_start3A_28] : memref<16384x200xi32, #tpu.memory_space<hbm>> -> memref<128x200xi32, #tpu.memory_space<hbm>>
      %dma_start3A_30 = arith.constant 0 : i32
      %dma_start3A_31 = tpu.memref_slice %arg2[%add3A_27, %dma_start3A_30] : memref<16384x200xi32, #tpu.memory_space<hbm>> -> memref<128x200xi32, #tpu.memory_space<hbm>>
      tpu.enqueue_dma source(%dma_start3A_31 : memref<128x200xi32, #tpu.memory_space<hbm>>) target(%arg5 : memref<128x200xi32, #tpu.memory_space<vmem>>) target_semaphore(%arg9 : memref<!tpu.dma_semaphore, #tpu.memory_space<semaphore_mem>>)
      %dma_wait3A_32 = arith.constant 0 : i32
      %dma_wait3A_33 = tpu.memref_slice %arg2[%mul3A_2, %dma_wait3A_32] : memref<16384x200xi32, #tpu.memory_space<hbm>> -> memref<128x200xi32, #tpu.memory_space<hbm>>
      %dma_wait3A_34 = arith.constant 0 : i32
      %dma_wait3A_35 = tpu.memref_slice %arg2[%mul3A_2, %dma_wait3A_34] : memref<16384x200xi32, #tpu.memory_space<hbm>> -> memref<128x200xi32, #tpu.memory_space<hbm>>
      tpu.wait_dma2 semaphore(%arg8 : memref<!tpu.dma_semaphore, #tpu.memory_space<semaphore_mem>>) src(%dma_wait3A_35 : memref<128x200xi32, #tpu.memory_space<hbm>>) dst(%arg4 : memref<128x200xi32, #tpu.memory_space<vmem>>)
      %gt3A = arith.constant 0 : i32
      %gt3A_36 = arith.cmpi sgt, %scan3A_20, %gt3A : i32
      %convert_element_type3A = arith.extui %gt3A_36 : i1 to i32
      %cond3A = arith.constant 0 : i32
      %cond3A_37 = arith.cmpi ne, %convert_element_type3A, %cond3A : i32
      scf.if %cond3A_37 {
        %dma_wait3A_72 = arith.constant 0 : i32
        %dma_wait3A_73 = tpu.memref_slice %arg3[%mul3A_2, %dma_wait3A_72] : memref<16384x200xi32, #tpu.memory_space<hbm>> -> memref<128x200xi32, #tpu.memory_space<hbm>>
        %dma_wait3A_74 = arith.constant 0 : i32
        %dma_wait3A_75 = tpu.memref_slice %arg3[%mul3A_2, %dma_wait3A_74] : memref<16384x200xi32, #tpu.memory_space<hbm>> -> memref<128x200xi32, #tpu.memory_space<hbm>>
        tpu.wait_dma2 semaphore(%arg10 : memref<!tpu.dma_semaphore, #tpu.memory_space<semaphore_mem>>) src(%arg6 : memref<128x200xi32, #tpu.memory_space<vmem>>) dst(%dma_wait3A_75 : memref<128x200xi32, #tpu.memory_space<hbm>>)
      } else {
      }
      %parallel_loop3A = arith.constant 0 : i32
      %parallel_loop3A_38 = arith.constant 128 : i32
      %parallel_loop3A_39 = arith.constant 1 : i32
      scf.for %parallel_loop3A_72 = %parallel_loop3A to %parallel_loop3A_38 step %parallel_loop3A_39  : i32 {
        %parallel_loop3A_73 = arith.index_cast %parallel_loop3A_72 : i32 to index
        %parallel_loop3A_74 = arith.constant 0 : index
        %parallel_loop3A_75 = tpu.vector_load %arg4[%parallel_loop3A_73, %parallel_loop3A_74] {strides = array<i32>} : memref<128x200xi32, #tpu.memory_space<vmem>>, vector<1x16xi32>,
        %parallel_loop3A_76 = vector.shape_cast %parallel_loop3A_75 : vector<1x16xi32> to vector<16xi32>
        %parallel_loop3A_77 = vector.bitcast %parallel_loop3A_76 : vector<16xi32> to vector<16xi32>
        %parallel_loop3A_78 = arith.constant 1000 : i32
        %parallel_loop3A_79 = vector.broadcast %parallel_loop3A_78 : i32 to vector<16xi32>
        %parallel_loop3A_80 = arith.cmpi ult, %parallel_loop3A_77, %parallel_loop3A_79 : vector<16xi32>
        %parallel_loop3A_81 = arith.constant 2 : i32
        %parallel_loop3A_82 = vector.broadcast %parallel_loop3A_81 : i32 to vector<16xi32>
        %parallel_loop3A_83 = arith.addi %parallel_loop3A_76, %parallel_loop3A_82 : vector<16xi32>
        %parallel_loop3A_84 = arith.constant 1 : i32
        %parallel_loop3A_85 = vector.broadcast %parallel_loop3A_84 : i32 to vector<16xi32>
        %parallel_loop3A_86 = arith.select %parallel_loop3A_80, %parallel_loop3A_83, %parallel_loop3A_85 : vector<16xi1>, vector<16xi32>
        %parallel_loop3A_87 = arith.constant 1 : i32
        %parallel_loop3A_88 = vector.broadcast %parallel_loop3A_87 : i32 to vector<16xi32>
        %parallel_loop3A_89 = arith.cmpi eq, %parallel_loop3A_76, %parallel_loop3A_88 : vector<16xi32>
        %parallel_loop3A_90 = arith.constant 0 : i32
        %parallel_loop3A_91 = vector.broadcast %parallel_loop3A_90 : i32 to vector<16xi32>
        %parallel_loop3A_92 = arith.select %parallel_loop3A_89, %parallel_loop3A_91, %parallel_loop3A_86 : vector<16xi1>, vector<16xi32>
        %parallel_loop3A_93 = arith.index_cast %parallel_loop3A_72 : i32 to index
        %parallel_loop3A_94 = arith.constant 0 : index
        %parallel_loop3A_95 = tpu.vector_load %arg6[%parallel_loop3A_93, %parallel_loop3A_94] {strides = array<i32>} : memref<128x200xi32, #tpu.memory_space<vmem>>, vector<1x16xi32>,
        %parallel_loop3A_96 = vector.shape_cast %parallel_loop3A_95 : vector<1x16xi32> to vector<16xi32>
        %parallel_loop3A_97 = vector.shape_cast %parallel_loop3A_92 : vector<16xi32> to vector<1x16xi32>
        tpu.vector_store %arg6[%parallel_loop3A_93, %parallel_loop3A_94], %parallel_loop3A_97 {strides = array<i32>} : memref<128x200xi32, #tpu.memory_space<vmem>>, vector<1x16xi32>,
        %parallel_loop3A_98 = arith.index_cast %parallel_loop3A_72 : i32 to index
        %parallel_loop3A_99 = arith.constant 16 : index
        %parallel_loop3A_100 = tpu.vector_load %arg4[%parallel_loop3A_98, %parallel_loop3A_99] {strides = array<i32>} : memref<128x200xi32, #tpu.memory_space<vmem>>, vector<1x16xi32>,
        %parallel_loop3A_101 = vector.shape_cast %parallel_loop3A_100 : vector<1x16xi32> to vector<16xi32>
        %parallel_loop3A_102 = vector.bitcast %parallel_loop3A_101 : vector<16xi32> to vector<16xi32>
        %parallel_loop3A_103 = arith.constant 1000 : i32
        %parallel_loop3A_104 = vector.broadcast %parallel_loop3A_103 : i32 to vector<16xi32>
        %parallel_loop3A_105 = arith.cmpi ult, %parallel_loop3A_102, %parallel_loop3A_104 : vector<16xi32>
        %parallel_loop3A_106 = arith.constant 2 : i32
        %parallel_loop3A_107 = vector.broadcast %parallel_loop3A_106 : i32 to vector<16xi32>
        %parallel_loop3A_108 = arith.addi %parallel_loop3A_101, %parallel_loop3A_107 : vector<16xi32>
        %parallel_loop3A_109 = arith.constant 1 : i32
        %parallel_loop3A_110 = vector.broadcast %parallel_loop3A_109 : i32 to vector<16xi32>
        %parallel_loop3A_111 = arith.select %parallel_loop3A_105, %parallel_loop3A_108, %parallel_loop3A_110 : vector<16xi1>, vector<16xi32>
        %parallel_loop3A_112 = arith.constant 1 : i32
        %parallel_loop3A_113 = vector.broadcast %parallel_loop3A_112 : i32 to vector<16xi32>
        %parallel_loop3A_114 = arith.cmpi eq, %parallel_loop3A_101, %parallel_loop3A_113 : vector<16xi32>
        %parallel_loop3A_115 = arith.constant 0 : i32
        %parallel_loop3A_116 = vector.broadcast %parallel_loop3A_115 : i32 to vector<16xi32>
        %parallel_loop3A_117 = arith.select %parallel_loop3A_114, %parallel_loop3A_116, %parallel_loop3A_111 : vector<16xi1>, vector<16xi32>
        %parallel_loop3A_118 = arith.index_cast %parallel_loop3A_72 : i32 to index
        %parallel_loop3A_119 = arith.constant 16 : index
        %parallel_loop3A_120 = tpu.vector_load %arg6[%parallel_loop3A_118, %parallel_loop3A_119] {strides = array<i32>} : memref<128x200xi32, #tpu.memory_space<vmem>>, vector<1x16xi32>,
        %parallel_loop3A_121 = vector.shape_cast %parallel_loop3A_120 : vector<1x16xi32> to vector<16xi32>
        %parallel_loop3A_122 = vector.shape_cast %parallel_loop3A_117 : vector<16xi32> to vector<1x16xi32>
        tpu.vector_store %arg6[%parallel_loop3A_118, %parallel_loop3A_119], %parallel_loop3A_122 {strides = array<i32>} : memref<128x200xi32, #tpu.memory_space<vmem>>, vector<1x16xi32>,
        %parallel_loop3A_123 = arith.index_cast %parallel_loop3A_72 : i32 to index
        %parallel_loop3A_124 = arith.constant 32 : index
        %parallel_loop3A_125 = tpu.vector_load %arg4[%parallel_loop3A_123, %parallel_loop3A_124] {strides = array<i32>} : memref<128x200xi32, #tpu.memory_space<vmem>>, vector<1x16xi32>,
        %parallel_loop3A_126 = vector.shape_cast %parallel_loop3A_125 : vector<1x16xi32> to vector<16xi32>
        %parallel_loop3A_127 = vector.bitcast %parallel_loop3A_126 : vector<16xi32> to vector<16xi32>
        %parallel_loop3A_128 = arith.constant 1000 : i32
        %parallel_loop3A_129 = vector.broadcast %parallel_loop3A_128 : i32 to vector<16xi32>
        %parallel_loop3A_130 = arith.cmpi ult, %parallel_loop3A_127, %parallel_loop3A_129 : vector<16xi32>
        %parallel_loop3A_131 = arith.constant 2 : i32
        %parallel_loop3A_132 = vector.broadcast %parallel_loop3A_131 : i32 to vector<16xi32>
        %parallel_loop3A_133 = arith.addi %parallel_loop3A_126, %parallel_loop3A_132 : vector<16xi32>
        %parallel_loop3A_134 = arith.constant 1 : i32
        %parallel_loop3A_135 = vector.broadcast %parallel_loop3A_134 : i32 to vector<16xi32>
        %parallel_loop3A_136 = arith.select %parallel_loop3A_130, %parallel_loop3A_133, %parallel_loop3A_135 : vector<16xi1>, vector<16xi32>
        %parallel_loop3A_137 = arith.constant 1 : i32
        %parallel_loop3A_138 = vector.broadcast %parallel_loop3A_137 : i32 to vector<16xi32>
        %parallel_loop3A_139 = arith.cmpi eq, %parallel_loop3A_126, %parallel_loop3A_138 : vector<16xi32>
        %parallel_loop3A_140 = arith.constant 0 : i32
        %parallel_loop3A_141 = vector.broadcast %parallel_loop3A_140 : i32 to vector<16xi32>
        %parallel_loop3A_142 = arith.select %parallel_loop3A_139, %parallel_loop3A_141, %parallel_loop3A_136 : vector<16xi1>, vector<16xi32>
        %parallel_loop3A_143 = arith.index_cast %parallel_loop3A_72 : i32 to index
        %parallel_loop3A_144 = arith.constant 32 : index
        %parallel_loop3A_145 = tpu.vector_load %arg6[%parallel_loop3A_143, %parallel_loop3A_144] {strides = array<i32>} : memref<128x200xi32, #tpu.memory_space<vmem>>, vector<1x16xi32>,
        %parallel_loop3A_146 = vector.shape_cast %parallel_loop3A_145 : vector<1x16xi32> to vector<16xi32>
        %parallel_loop3A_147 = vector.shape_cast %parallel_loop3A_142 : vector<16xi32> to vector<1x16xi32>
        tpu.vector_store %arg6[%parallel_loop3A_143, %parallel_loop3A_144], %parallel_loop3A_147 {strides = array<i32>} : memref<128x200xi32, #tpu.memory_space<vmem>>, vector<1x16xi32>,
        %parallel_loop3A_148 = arith.index_cast %parallel_loop3A_72 : i32 to index
        %parallel_loop3A_149 = arith.constant 48 : index
        %parallel_loop3A_150 = tpu.vector_load %arg4[%parallel_loop3A_148, %parallel_loop3A_149] {strides = array<i32>} : memref<128x200xi32, #tpu.memory_space<vmem>>, vector<1x16xi32>,
        %parallel_loop3A_151 = vector.shape_cast %parallel_loop3A_150 : vector<1x16xi32> to vector<16xi32>
        %parallel_loop3A_152 = vector.bitcast %parallel_loop3A_151 : vector<16xi32> to vector<16xi32>
        %parallel_loop3A_153 = arith.constant 1000 : i32
        %parallel_loop3A_154 = vector.broadcast %parallel_loop3A_153 : i32 to vector<16xi32>
        %parallel_loop3A_155 = arith.cmpi ult, %parallel_loop3A_152, %parallel_loop3A_154 : vector<16xi32>
        %parallel_loop3A_156 = arith.constant 2 : i32
        %parallel_loop3A_157 = vector.broadcast %parallel_loop3A_156 : i32 to vector<16xi32>
        %parallel_loop3A_158 = arith.addi %parallel_loop3A_151, %parallel_loop3A_157 : vector<16xi32>
        %parallel_loop3A_159 = arith.constant 1 : i32
        %parallel_loop3A_160 = vector.broadcast %parallel_loop3A_159 : i32 to vector<16xi32>
        %parallel_loop3A_161 = arith.select %parallel_loop3A_155, %parallel_loop3A_158, %parallel_loop3A_160 : vector<16xi1>, vector<16xi32>
        %parallel_loop3A_162 = arith.constant 1 : i32
        %parallel_loop3A_163 = vector.broadcast %parallel_loop3A_162 : i32 to vector<16xi32>
        %parallel_loop3A_164 = arith.cmpi eq, %parallel_loop3A_151, %parallel_loop3A_163 : vector<16xi32>
        %parallel_loop3A_165 = arith.constant 0 : i32
        %parallel_loop3A_166 = vector.broadcast %parallel_loop3A_165 : i32 to vector<16xi32>
        %parallel_loop3A_167 = arith.select %parallel_loop3A_164, %parallel_loop3A_166, %parallel_loop3A_161 : vector<16xi1>, vector<16xi32>
        %parallel_loop3A_168 = arith.index_cast %parallel_loop3A_72 : i32 to index
        %parallel_loop3A_169 = arith.constant 48 : index
        %parallel_loop3A_170 = tpu.vector_load %arg6[%parallel_loop3A_168, %parallel_loop3A_169] {strides = array<i32>} : memref<128x200xi32, #tpu.memory_space<vmem>>, vector<1x16xi32>,
        %parallel_loop3A_171 = vector.shape_cast %parallel_loop3A_170 : vector<1x16xi32> to vector<16xi32>
        %parallel_loop3A_172 = vector.shape_cast %parallel_loop3A_167 : vector<16xi32> to vector<1x16xi32>
        tpu.vector_store %arg6[%parallel_loop3A_168, %parallel_loop3A_169], %parallel_loop3A_172 {strides = array<i32>} : memref<128x200xi32, #tpu.memory_space<vmem>>, vector<1x16xi32>,
        %parallel_loop3A_173 = arith.index_cast %parallel_loop3A_72 : i32 to index
        %parallel_loop3A_174 = arith.constant 64 : index
        %parallel_loop3A_175 = tpu.vector_load %arg4[%parallel_loop3A_173, %parallel_loop3A_174] {strides = array<i32>} : memref<128x200xi32, #tpu.memory_space<vmem>>, vector<1x16xi32>,
        %parallel_loop3A_176 = vector.shape_cast %parallel_loop3A_175 : vector<1x16xi32> to vector<16xi32>
        %parallel_loop3A_177 = vector.bitcast %parallel_loop3A_176 : vector<16xi32> to vector<16xi32>
        %parallel_loop3A_178 = arith.constant 1000 : i32
        %parallel_loop3A_179 = vector.broadcast %parallel_loop3A_178 : i32 to vector<16xi32>
        %parallel_loop3A_180 = arith.cmpi ult, %parallel_loop3A_177, %parallel_loop3A_179 : vector<16xi32>
        %parallel_loop3A_181 = arith.constant 2 : i32
        %parallel_loop3A_182 = vector.broadcast %parallel_loop3A_181 : i32 to vector<16xi32>
        %parallel_loop3A_183 = arith.addi %parallel_loop3A_176, %parallel_loop3A_182 : vector<16xi32>
        %parallel_loop3A_184 = arith.constant 1 : i32
        %parallel_loop3A_185 = vector.broadcast %parallel_loop3A_184 : i32 to vector<16xi32>
        %parallel_loop3A_186 = arith.select %parallel_loop3A_180, %parallel_loop3A_183, %parallel_loop3A_185 : vector<16xi1>, vector<16xi32>
        %parallel_loop3A_187 = arith.constant 1 : i32
        %parallel_loop3A_188 = vector.broadcast %parallel_loop3A_187 : i32 to vector<16xi32>
        %parallel_loop3A_189 = arith.cmpi eq, %parallel_loop3A_176, %parallel_loop3A_188 : vector<16xi32>
        %parallel_loop3A_190 = arith.constant 0 : i32
        %parallel_loop3A_191 = vector.broadcast %parallel_loop3A_190 : i32 to vector<16xi32>
        %parallel_loop3A_192 = arith.select %parallel_loop3A_189, %parallel_loop3A_191, %parallel_loop3A_186 : vector<16xi1>, vector<16xi32>
        %parallel_loop3A_193 = arith.index_cast %parallel_loop3A_72 : i32 to index
        %parallel_loop3A_194 = arith.constant 64 : index
        %parallel_loop3A_195 = tpu.vector_load %arg6[%parallel_loop3A_193, %parallel_loop3A_194] {strides = array<i32>} : memref<128x200xi32, #tpu.memory_space<vmem>>, vector<1x16xi32>,
        %parallel_loop3A_196 = vector.shape_cast %parallel_loop3A_195 : vector<1x16xi32> to vector<16xi32>
        %parallel_loop3A_197 = vector.shape_cast %parallel_loop3A_192 : vector<16xi32> to vector<1x16xi32>
        tpu.vector_store %arg6[%parallel_loop3A_193, %parallel_loop3A_194], %parallel_loop3A_197 {strides = array<i32>} : memref<128x200xi32, #tpu.memory_space<vmem>>, vector<1x16xi32>,
        %parallel_loop3A_198 = arith.index_cast %parallel_loop3A_72 : i32 to index
        %parallel_loop3A_199 = arith.constant 80 : index
        %parallel_loop3A_200 = tpu.vector_load %arg4[%parallel_loop3A_198, %parallel_loop3A_199] {strides = array<i32>} : memref<128x200xi32, #tpu.memory_space<vmem>>, vector<1x16xi32>,
        %parallel_loop3A_201 = vector.shape_cast %parallel_loop3A_200 : vector<1x16xi32> to vector<16xi32>
        %parallel_loop3A_202 = vector.bitcast %parallel_loop3A_201 : vector<16xi32> to vector<16xi32>
        %parallel_loop3A_203 = arith.constant 1000 : i32
        %parallel_loop3A_204 = vector.broadcast %parallel_loop3A_203 : i32 to vector<16xi32>
        %parallel_loop3A_205 = arith.cmpi ult, %parallel_loop3A_202, %parallel_loop3A_204 : vector<16xi32>
        %parallel_loop3A_206 = arith.constant 2 : i32
        %parallel_loop3A_207 = vector.broadcast %parallel_loop3A_206 : i32 to vector<16xi32>
        %parallel_loop3A_208 = arith.addi %parallel_loop3A_201, %parallel_loop3A_207 : vector<16xi32>
        %parallel_loop3A_209 = arith.constant 1 : i32
        %parallel_loop3A_210 = vector.broadcast %parallel_loop3A_209 : i32 to vector<16xi32>
        %parallel_loop3A_211 = arith.select %parallel_loop3A_205, %parallel_loop3A_208, %parallel_loop3A_210 : vector<16xi1>, vector<16xi32>
        %parallel_loop3A_212 = arith.constant 1 : i32
        %parallel_loop3A_213 = vector.broadcast %parallel_loop3A_212 : i32 to vector<16xi32>
        %parallel_loop3A_214 = arith.cmpi eq, %parallel_loop3A_201, %parallel_loop3A_213 : vector<16xi32>
        %parallel_loop3A_215 = arith.constant 0 : i32
        %parallel_loop3A_216 = vector.broadcast %parallel_loop3A_215 : i32 to vector<16xi32>
        %parallel_loop3A_217 = arith.select %parallel_loop3A_214, %parallel_loop3A_216, %parallel_loop3A_211 : vector<16xi1>, vector<16xi32>
        %parallel_loop3A_218 = arith.index_cast %parallel_loop3A_72 : i32 to index
        %parallel_loop3A_219 = arith.constant 80 : index
        %parallel_loop3A_220 = tpu.vector_load %arg6[%parallel_loop3A_218, %parallel_loop3A_219] {strides = array<i32>} : memref<128x200xi32, #tpu.memory_space<vmem>>, vector<1x16xi32>,
        %parallel_loop3A_221 = vector.shape_cast %parallel_loop3A_220 : vector<1x16xi32> to vector<16xi32>
        %parallel_loop3A_222 = vector.shape_cast %parallel_loop3A_217 : vector<16xi32> to vector<1x16xi32>
        tpu.vector_store %arg6[%parallel_loop3A_218, %parallel_loop3A_219], %parallel_loop3A_222 {strides = array<i32>} : memref<128x200xi32, #tpu.memory_space<vmem>>, vector<1x16xi32>,
        %parallel_loop3A_223 = arith.index_cast %parallel_loop3A_72 : i32 to index
        %parallel_loop3A_224 = arith.constant 96 : index
        %parallel_loop3A_225 = tpu.vector_load %arg4[%parallel_loop3A_223, %parallel_loop3A_224] {strides = array<i32>} : memref<128x200xi32, #tpu.memory_space<vmem>>, vector<1x16xi32>,
        %parallel_loop3A_226 = vector.shape_cast %parallel_loop3A_225 : vector<1x16xi32> to vector<16xi32>
        %parallel_loop3A_227 = vector.bitcast %parallel_loop3A_226 : vector<16xi32> to vector<16xi32>
        %parallel_loop3A_228 = arith.constant 1000 : i32
        %parallel_loop3A_229 = vector.broadcast %parallel_loop3A_228 : i32 to vector<16xi32>
        %parallel_loop3A_230 = arith.cmpi ult, %parallel_loop3A_227, %parallel_loop3A_229 : vector<16xi32>
        %parallel_loop3A_231 = arith.constant 2 : i32
        %parallel_loop3A_232 = vector.broadcast %parallel_loop3A_231 : i32 to vector<16xi32>
        %parallel_loop3A_233 = arith.addi %parallel_loop3A_226, %parallel_loop3A_232 : vector<16xi32>
        %parallel_loop3A_234 = arith.constant 1 : i32
        %parallel_loop3A_235 = vector.broadcast %parallel_loop3A_234 : i32 to vector<16xi32>
        %parallel_loop3A_236 = arith.select %parallel_loop3A_230, %parallel_loop3A_233, %parallel_loop3A_235 : vector<16xi1>, vector<16xi32>
        %parallel_loop3A_237 = arith.constant 1 : i32
        %parallel_loop3A_238 = vector.broadcast %parallel_loop3A_237 : i32 to vector<16xi32>
        %parallel_loop3A_239 = arith.cmpi eq, %parallel_loop3A_226, %parallel_loop3A_238 : vector<16xi32>
        %parallel_loop3A_240 = arith.constant 0 : i32
        %parallel_loop3A_241 = vector.broadcast %parallel_loop3A_240 : i32 to vector<16xi32>
        %parallel_loop3A_242 = arith.select %parallel_loop3A_239, %parallel_loop3A_241, %parallel_loop3A_236 : vector<16xi1>, vector<16xi32>
        %parallel_loop3A_243 = arith.index_cast %parallel_loop3A_72 : i32 to index
        %parallel_loop3A_244 = arith.constant 96 : index
        %parallel_loop3A_245 = tpu.vector_load %arg6[%parallel_loop3A_243, %parallel_loop3A_244] {strides = array<i32>} : memref<128x200xi32, #tpu.memory_space<vmem>>, vector<1x16xi32>,
        %parallel_loop3A_246 = vector.shape_cast %parallel_loop3A_245 : vector<1x16xi32> to vector<16xi32>
        %parallel_loop3A_247 = vector.shape_cast %parallel_loop3A_242 : vector<16xi32> to vector<1x16xi32>
        tpu.vector_store %arg6[%parallel_loop3A_243, %parallel_loop3A_244], %parallel_loop3A_247 {strides = array<i32>} : memref<128x200xi32, #tpu.memory_space<vmem>>, vector<1x16xi32>,
        %parallel_loop3A_248 = arith.index_cast %parallel_loop3A_72 : i32 to index
        %parallel_loop3A_249 = arith.constant 112 : index
        %parallel_loop3A_250 = tpu.vector_load %arg4[%parallel_loop3A_248, %parallel_loop3A_249] {strides = array<i32>} : memref<128x200xi32, #tpu.memory_space<vmem>>, vector<1x16xi32>,
        %parallel_loop3A_251 = vector.shape_cast %parallel_loop3A_250 : vector<1x16xi32> to vector<16xi32>
        %parallel_loop3A_252 = vector.bitcast %parallel_loop3A_251 : vector<16xi32> to vector<16xi32>
        %parallel_loop3A_253 = arith.constant 1000 : i32
        %parallel_loop3A_254 = vector.broadcast %parallel_loop3A_253 : i32 to vector<16xi32>
        %parallel_loop3A_255 = arith.cmpi ult, %parallel_loop3A_252, %parallel_loop3A_254 : vector<16xi32>
        %parallel_loop3A_256 = arith.constant 2 : i32
        %parallel_loop3A_257 = vector.broadcast %parallel_loop3A_256 : i32 to vector<16xi32>
        %parallel_loop3A_258 = arith.addi %parallel_loop3A_251, %parallel_loop3A_257 : vector<16xi32>
        %parallel_loop3A_259 = arith.constant 1 : i32
        %parallel_loop3A_260 = vector.broadcast %parallel_loop3A_259 : i32 to vector<16xi32>
        %parallel_loop3A_261 = arith.select %parallel_loop3A_255, %parallel_loop3A_258, %parallel_loop3A_260 : vector<16xi1>, vector<16xi32>
        %parallel_loop3A_262 = arith.constant 1 : i32
        %parallel_loop3A_263 = vector.broadcast %parallel_loop3A_262 : i32 to vector<16xi32>
        %parallel_loop3A_264 = arith.cmpi eq, %parallel_loop3A_251, %parallel_loop3A_263 : vector<16xi32>
        %parallel_loop3A_265 = arith.constant 0 : i32
        %parallel_loop3A_266 = vector.broadcast %parallel_loop3A_265 : i32 to vector<16xi32>
        %parallel_loop3A_267 = arith.select %parallel_loop3A_264, %parallel_loop3A_266, %parallel_loop3A_261 : vector<16xi1>, vector<16xi32>
        %parallel_loop3A_268 = arith.index_cast %parallel_loop3A_72 : i32 to index
        %parallel_loop3A_269 = arith.constant 112 : index
        %parallel_loop3A_270 = tpu.vector_load %arg6[%parallel_loop3A_268, %parallel_loop3A_269] {strides = array<i32>} : memref<128x200xi32, #tpu.memory_space<vmem>>, vector<1x16xi32>,
        %parallel_loop3A_271 = vector.shape_cast %parallel_loop3A_270 : vector<1x16xi32> to vector<16xi32>
        %parallel_loop3A_272 = vector.shape_cast %parallel_loop3A_267 : vector<16xi32> to vector<1x16xi32>
        tpu.vector_store %arg6[%parallel_loop3A_268, %parallel_loop3A_269], %parallel_loop3A_272 {strides = array<i32>} : memref<128x200xi32, #tpu.memory_space<vmem>>, vector<1x16xi32>,
        %parallel_loop3A_273 = arith.index_cast %parallel_loop3A_72 : i32 to index
        %parallel_loop3A_274 = arith.constant 128 : index
        %parallel_loop3A_275 = tpu.vector_load %arg4[%parallel_loop3A_273, %parallel_loop3A_274] {strides = array<i32>} : memref<128x200xi32, #tpu.memory_space<vmem>>, vector<1x16xi32>,
        %parallel_loop3A_276 = vector.shape_cast %parallel_loop3A_275 : vector<1x16xi32> to vector<16xi32>
        %parallel_loop3A_277 = vector.bitcast %parallel_loop3A_276 : vector<16xi32> to vector<16xi32>
        %parallel_loop3A_278 = arith.constant 1000 : i32
        %parallel_loop3A_279 = vector.broadcast %parallel_loop3A_278 : i32 to vector<16xi32>
        %parallel_loop3A_280 = arith.cmpi ult, %parallel_loop3A_277, %parallel_loop3A_279 : vector<16xi32>
        %parallel_loop3A_281 = arith.constant 2 : i32
        %parallel_loop3A_282 = vector.broadcast %parallel_loop3A_281 : i32 to vector<16xi32>
        %parallel_loop3A_283 = arith.addi %parallel_loop3A_276, %parallel_loop3A_282 : vector<16xi32>
        %parallel_loop3A_284 = arith.constant 1 : i32
        %parallel_loop3A_285 = vector.broadcast %parallel_loop3A_284 : i32 to vector<16xi32>
        %parallel_loop3A_286 = arith.select %parallel_loop3A_280, %parallel_loop3A_283, %parallel_loop3A_285 : vector<16xi1>, vector<16xi32>
        %parallel_loop3A_287 = arith.constant 1 : i32
        %parallel_loop3A_288 = vector.broadcast %parallel_loop3A_287 : i32 to vector<16xi32>
        %parallel_loop3A_289 = arith.cmpi eq, %parallel_loop3A_276, %parallel_loop3A_288 : vector<16xi32>
        %parallel_loop3A_290 = arith.constant 0 : i32
        %parallel_loop3A_291 = vector.broadcast %parallel_loop3A_290 : i32 to vector<16xi32>
        %parallel_loop3A_292 = arith.select %parallel_loop3A_289, %parallel_loop3A_291, %parallel_loop3A_286 : vector<16xi1>, vector<16xi32>
        %parallel_loop3A_293 = arith.index_cast %parallel_loop3A_72 : i32 to index
        %parallel_loop3A_294 = arith.constant 128 : index
        %parallel_loop3A_295 = tpu.vector_load %arg6[%parallel_loop3A_293, %parallel_loop3A_294] {strides = array<i32>} : memref<128x200xi32, #tpu.memory_space<vmem>>, vector<1x16xi32>,
        %parallel_loop3A_296 = vector.shape_cast %parallel_loop3A_295 : vector<1x16xi32> to vector<16xi32>
        %parallel_loop3A_297 = vector.shape_cast %parallel_loop3A_292 : vector<16xi32> to vector<1x16xi32>
        tpu.vector_store %arg6[%parallel_loop3A_293, %parallel_loop3A_294], %parallel_loop3A_297 {strides = array<i32>} : memref<128x200xi32, #tpu.memory_space<vmem>>, vector<1x16xi32>,
        %parallel_loop3A_298 = arith.index_cast %parallel_loop3A_72 : i32 to index
        %parallel_loop3A_299 = arith.constant 144 : index
        %parallel_loop3A_300 = tpu.vector_load %arg4[%parallel_loop3A_298, %parallel_loop3A_299] {strides = array<i32>} : memref<128x200xi32, #tpu.memory_space<vmem>>, vector<1x16xi32>,
        %parallel_loop3A_301 = vector.shape_cast %parallel_loop3A_300 : vector<1x16xi32> to vector<16xi32>
        %parallel_loop3A_302 = vector.bitcast %parallel_loop3A_301 : vector<16xi32> to vector<16xi32>
        %parallel_loop3A_303 = arith.constant 1000 : i32
        %parallel_loop3A_304 = vector.broadcast %parallel_loop3A_303 : i32 to vector<16xi32>
        %parallel_loop3A_305 = arith.cmpi ult, %parallel_loop3A_302, %parallel_loop3A_304 : vector<16xi32>
        %parallel_loop3A_306 = arith.constant 2 : i32
        %parallel_loop3A_307 = vector.broadcast %parallel_loop3A_306 : i32 to vector<16xi32>
        %parallel_loop3A_308 = arith.addi %parallel_loop3A_301, %parallel_loop3A_307 : vector<16xi32>
        %parallel_loop3A_309 = arith.constant 1 : i32
        %parallel_loop3A_310 = vector.broadcast %parallel_loop3A_309 : i32 to vector<16xi32>
        %parallel_loop3A_311 = arith.select %parallel_loop3A_305, %parallel_loop3A_308, %parallel_loop3A_310 : vector<16xi1>, vector<16xi32>
        %parallel_loop3A_312 = arith.constant 1 : i32
        %parallel_loop3A_313 = vector.broadcast %parallel_loop3A_312 : i32 to vector<16xi32>
        %parallel_loop3A_314 = arith.cmpi eq, %parallel_loop3A_301, %parallel_loop3A_313 : vector<16xi32>
        %parallel_loop3A_315 = arith.constant 0 : i32
        %parallel_loop3A_316 = vector.broadcast %parallel_loop3A_315 : i32 to vector<16xi32>
        %parallel_loop3A_317 = arith.select %parallel_loop3A_314, %parallel_loop3A_316, %parallel_loop3A_311 : vector<16xi1>, vector<16xi32>
        %parallel_loop3A_318 = arith.index_cast %parallel_loop3A_72 : i32 to index
        %parallel_loop3A_319 = arith.constant 144 : index
        %parallel_loop3A_320 = tpu.vector_load %arg6[%parallel_loop3A_318, %parallel_loop3A_319] {strides = array<i32>} : memref<128x200xi32, #tpu.memory_space<vmem>>, vector<1x16xi32>,
        %parallel_loop3A_321 = vector.shape_cast %parallel_loop3A_320 : vector<1x16xi32> to vector<16xi32>
        %parallel_loop3A_322 = vector.shape_cast %parallel_loop3A_317 : vector<16xi32> to vector<1x16xi32>
        tpu.vector_store %arg6[%parallel_loop3A_318, %parallel_loop3A_319], %parallel_loop3A_322 {strides = array<i32>} : memref<128x200xi32, #tpu.memory_space<vmem>>, vector<1x16xi32>,
        %parallel_loop3A_323 = arith.index_cast %parallel_loop3A_72 : i32 to index
        %parallel_loop3A_324 = arith.constant 160 : index
        %parallel_loop3A_325 = tpu.vector_load %arg4[%parallel_loop3A_323, %parallel_loop3A_324] {strides = array<i32>} : memref<128x200xi32, #tpu.memory_space<vmem>>, vector<1x16xi32>,
        %parallel_loop3A_326 = vector.shape_cast %parallel_loop3A_325 : vector<1x16xi32> to vector<16xi32>
        %parallel_loop3A_327 = vector.bitcast %parallel_loop3A_326 : vector<16xi32> to vector<16xi32>
        %parallel_loop3A_328 = arith.constant 1000 : i32
        %parallel_loop3A_329 = vector.broadcast %parallel_loop3A_328 : i32 to vector<16xi32>
        %parallel_loop3A_330 = arith.cmpi ult, %parallel_loop3A_327, %parallel_loop3A_329 : vector<16xi32>
        %parallel_loop3A_331 = arith.constant 2 : i32
        %parallel_loop3A_332 = vector.broadcast %parallel_loop3A_331 : i32 to vector<16xi32>
        %parallel_loop3A_333 = arith.addi %parallel_loop3A_326, %parallel_loop3A_332 : vector<16xi32>
        %parallel_loop3A_334 = arith.constant 1 : i32
        %parallel_loop3A_335 = vector.broadcast %parallel_loop3A_334 : i32 to vector<16xi32>
        %parallel_loop3A_336 = arith.select %parallel_loop3A_330, %parallel_loop3A_333, %parallel_loop3A_335 : vector<16xi1>, vector<16xi32>
        %parallel_loop3A_337 = arith.constant 1 : i32
        %parallel_loop3A_338 = vector.broadcast %parallel_loop3A_337 : i32 to vector<16xi32>
        %parallel_loop3A_339 = arith.cmpi eq, %parallel_loop3A_326, %parallel_loop3A_338 : vector<16xi32>
        %parallel_loop3A_340 = arith.constant 0 : i32
        %parallel_loop3A_341 = vector.broadcast %parallel_loop3A_340 : i32 to vector<16xi32>
        %parallel_loop3A_342 = arith.select %parallel_loop3A_339, %parallel_loop3A_341, %parallel_loop3A_336 : vector<16xi1>, vector<16xi32>
        %parallel_loop3A_343 = arith.index_cast %parallel_loop3A_72 : i32 to index
        %parallel_loop3A_344 = arith.constant 160 : index
        %parallel_loop3A_345 = tpu.vector_load %arg6[%parallel_loop3A_343, %parallel_loop3A_344] {strides = array<i32>} : memref<128x200xi32, #tpu.memory_space<vmem>>, vector<1x16xi32>,
        %parallel_loop3A_346 = vector.shape_cast %parallel_loop3A_345 : vector<1x16xi32> to vector<16xi32>
        %parallel_loop3A_347 = vector.shape_cast %parallel_loop3A_342 : vector<16xi32> to vector<1x16xi32>
        tpu.vector_store %arg6[%parallel_loop3A_343, %parallel_loop3A_344], %parallel_loop3A_347 {strides = array<i32>} : memref<128x200xi32, #tpu.memory_space<vmem>>, vector<1x16xi32>,
        %parallel_loop3A_348 = arith.index_cast %parallel_loop3A_72 : i32 to index
        %parallel_loop3A_349 = arith.constant 176 : index
        %parallel_loop3A_350 = tpu.vector_load %arg4[%parallel_loop3A_348, %parallel_loop3A_349] {strides = array<i32>} : memref<128x200xi32, #tpu.memory_space<vmem>>, vector<1x16xi32>,
        %parallel_loop3A_351 = vector.shape_cast %parallel_loop3A_350 : vector<1x16xi32> to vector<16xi32>
        %parallel_loop3A_352 = vector.bitcast %parallel_loop3A_351 : vector<16xi32> to vector<16xi32>
        %parallel_loop3A_353 = arith.constant 1000 : i32
        %parallel_loop3A_354 = vector.broadcast %parallel_loop3A_353 : i32 to vector<16xi32>
        %parallel_loop3A_355 = arith.cmpi ult, %parallel_loop3A_352, %parallel_loop3A_354 : vector<16xi32>
        %parallel_loop3A_356 = arith.constant 2 : i32
        %parallel_loop3A_357 = vector.broadcast %parallel_loop3A_356 : i32 to vector<16xi32>
        %parallel_loop3A_358 = arith.addi %parallel_loop3A_351, %parallel_loop3A_357 : vector<16xi32>
        %parallel_loop3A_359 = arith.constant 1 : i32
        %parallel_loop3A_360 = vector.broadcast %parallel_loop3A_359 : i32 to vector<16xi32>
        %parallel_loop3A_361 = arith.select %parallel_loop3A_355, %parallel_loop3A_358, %parallel_loop3A_360 : vector<16xi1>, vector<16xi32>
        %parallel_loop3A_362 = arith.constant 1 : i32
        %parallel_loop3A_363 = vector.broadcast %parallel_loop3A_362 : i32 to vector<16xi32>
        %parallel_loop3A_364 = arith.cmpi eq, %parallel_loop3A_351, %parallel_loop3A_363 : vector<16xi32>
        %parallel_loop3A_365 = arith.constant 0 : i32
        %parallel_loop3A_366 = vector.broadcast %parallel_loop3A_365 : i32 to vector<16xi32>
        %parallel_loop3A_367 = arith.select %parallel_loop3A_364, %parallel_loop3A_366, %parallel_loop3A_361 : vector<16xi1>, vector<16xi32>
        %parallel_loop3A_368 = arith.index_cast %parallel_loop3A_72 : i32 to index
        %parallel_loop3A_369 = arith.constant 176 : index
        %parallel_loop3A_370 = tpu.vector_load %arg6[%parallel_loop3A_368, %parallel_loop3A_369] {strides = array<i32>} : memref<128x200xi32, #tpu.memory_space<vmem>>, vector<1x16xi32>,
        %parallel_loop3A_371 = vector.shape_cast %parallel_loop3A_370 : vector<1x16xi32> to vector<16xi32>
        %parallel_loop3A_372 = vector.shape_cast %parallel_loop3A_367 : vector<16xi32> to vector<1x16xi32>
        tpu.vector_store %arg6[%parallel_loop3A_368, %parallel_loop3A_369], %parallel_loop3A_372 {strides = array<i32>} : memref<128x200xi32, #tpu.memory_space<vmem>>, vector<1x16xi32>,
        %parallel_loop3A_373 = arith.index_cast %parallel_loop3A_72 : i32 to index
        %parallel_loop3A_374 = arith.constant 184 : index
        %parallel_loop3A_375 = tpu.vector_load %arg4[%parallel_loop3A_373, %parallel_loop3A_374] {strides = array<i32>} : memref<128x200xi32, #tpu.memory_space<vmem>>, vector<1x16xi32>,
        %parallel_loop3A_376 = vector.shape_cast %parallel_loop3A_375 : vector<1x16xi32> to vector<16xi32>
        %parallel_loop3A_377 = vector.bitcast %parallel_loop3A_376 : vector<16xi32> to vector<16xi32>
        %parallel_loop3A_378 = arith.constant 1000 : i32
        %parallel_loop3A_379 = vector.broadcast %parallel_loop3A_378 : i32 to vector<16xi32>
        %parallel_loop3A_380 = arith.cmpi ult, %parallel_loop3A_377, %parallel_loop3A_379 : vector<16xi32>
        %parallel_loop3A_381 = arith.constant 2 : i32
        %parallel_loop3A_382 = vector.broadcast %parallel_loop3A_381 : i32 to vector<16xi32>
        %parallel_loop3A_383 = arith.addi %parallel_loop3A_376, %parallel_loop3A_382 : vector<16xi32>
        %parallel_loop3A_384 = arith.constant 1 : i32
        %parallel_loop3A_385 = vector.broadcast %parallel_loop3A_384 : i32 to vector<16xi32>
        %parallel_loop3A_386 = arith.select %parallel_loop3A_380, %parallel_loop3A_383, %parallel_loop3A_385 : vector<16xi1>, vector<16xi32>
        %parallel_loop3A_387 = arith.constant 1 : i32
        %parallel_loop3A_388 = vector.broadcast %parallel_loop3A_387 : i32 to vector<16xi32>
        %parallel_loop3A_389 = arith.cmpi eq, %parallel_loop3A_376, %parallel_loop3A_388 : vector<16xi32>
        %parallel_loop3A_390 = arith.constant 0 : i32
        %parallel_loop3A_391 = vector.broadcast %parallel_loop3A_390 : i32 to vector<16xi32>
        %parallel_loop3A_392 = arith.select %parallel_loop3A_389, %parallel_loop3A_391, %parallel_loop3A_386 : vector<16xi1>, vector<16xi32>
        %parallel_loop3A_393 = arith.index_cast %parallel_loop3A_72 : i32 to index
        %parallel_loop3A_394 = arith.constant 184 : index
        %parallel_loop3A_395 = tpu.vector_load %arg6[%parallel_loop3A_393, %parallel_loop3A_394] {strides = array<i32>} : memref<128x200xi32, #tpu.memory_space<vmem>>, vector<1x16xi32>,
        %parallel_loop3A_396 = vector.shape_cast %parallel_loop3A_395 : vector<1x16xi32> to vector<16xi32>
        %parallel_loop3A_397 = vector.shape_cast %parallel_loop3A_392 : vector<16xi32> to vector<1x16xi32>
        tpu.vector_store %arg6[%parallel_loop3A_393, %parallel_loop3A_394], %parallel_loop3A_397 {strides = array<i32>} : memref<128x200xi32, #tpu.memory_space<vmem>>, vector<1x16xi32>,
      } {sc.loop_unroll_factor = 4 : i64, sc.parallel_access}
      %mul3A_40 = arith.constant 128 : i32
      %mul3A_41 = arith.muli %mul3A_22, %mul3A_40 : i32
      %add3A_42 = arith.addi %mul3A_2, %mul3A_41 : i32
      %dma_start3A_43 = arith.constant 0 : i32
      %dma_start3A_44 = tpu.memref_slice %arg3[%add3A_42, %dma_start3A_43] : memref<16384x200xi32, #tpu.memory_space<hbm>> -> memref<128x200xi32, #tpu.memory_space<hbm>>
      %dma_start3A_45 = arith.constant 0 : i32
      %dma_start3A_46 = tpu.memref_slice %arg3[%add3A_42, %dma_start3A_45] : memref<16384x200xi32, #tpu.memory_space<hbm>> -> memref<128x200xi32, #tpu.memory_space<hbm>>
      tpu.enqueue_dma source(%arg6 : memref<128x200xi32, #tpu.memory_space<vmem>>) target(%dma_start3A_46 : memref<128x200xi32, #tpu.memory_space<hbm>>) target_semaphore(%arg10 : memref<!tpu.dma_semaphore, #tpu.memory_space<semaphore_mem>>)
      %lt3A = arith.constant 1 : i32
      %lt3A_47 = arith.cmpi slt, %scan3A_20, %lt3A : i32
      %convert_element_type3A_48 = arith.extui %lt3A_47 : i1 to i32
      %cond3A_49 = arith.constant 0 : i32
      %cond3A_50 = arith.cmpi ne, %convert_element_type3A_48, %cond3A_49 : i32
      scf.if %cond3A_50 {
        %add3A_72 = arith.constant 2 : i32
        %add3A_73 = arith.addi %mul3A_22, %add3A_72 : i32
        %mul3A_74 = arith.constant 128 : i32
        %mul3A_75 = arith.muli %add3A_73, %mul3A_74 : i32
        %add3A_76 = arith.addi %mul3A_2, %mul3A_75 : i32
        %dma_start3A_77 = arith.constant 0 : i32
        %dma_start3A_78 = tpu.memref_slice %arg2[%add3A_76, %dma_start3A_77] : memref<16384x200xi32, #tpu.memory_space<hbm>> -> memref<128x200xi32, #tpu.memory_space<hbm>>
        %dma_start3A_79 = arith.constant 0 : i32
        %dma_start3A_80 = tpu.memref_slice %arg2[%add3A_76, %dma_start3A_79] : memref<16384x200xi32, #tpu.memory_space<hbm>> -> memref<128x200xi32, #tpu.memory_space<hbm>>
        tpu.enqueue_dma source(%dma_start3A_80 : memref<128x200xi32, #tpu.memory_space<hbm>>) target(%arg4 : memref<128x200xi32, #tpu.memory_space<vmem>>) target_semaphore(%arg8 : memref<!tpu.dma_semaphore, #tpu.memory_space<semaphore_mem>>)
      } else {
      }
      %dma_wait3A_51 = arith.constant 0 : i32
      %dma_wait3A_52 = tpu.memref_slice %arg2[%mul3A_2, %dma_wait3A_51] : memref<16384x200xi32, #tpu.memory_space<hbm>> -> memref<128x200xi32, #tpu.memory_space<hbm>>
      %dma_wait3A_53 = arith.constant 0 : i32
      %dma_wait3A_54 = tpu.memref_slice %arg2[%mul3A_2, %dma_wait3A_53] : memref<16384x200xi32, #tpu.memory_space<hbm>> -> memref<128x200xi32, #tpu.memory_space<hbm>>
      tpu.wait_dma2 semaphore(%arg9 : memref<!tpu.dma_semaphore, #tpu.memory_space<semaphore_mem>>) src(%dma_wait3A_54 : memref<128x200xi32, #tpu.memory_space<hbm>>) dst(%arg5 : memref<128x200xi32, #tpu.memory_space<vmem>>)
      %gt3A_55 = arith.constant 0 : i32
      %gt3A_56 = arith.cmpi sgt, %scan3A_20, %gt3A_55 : i32
      %convert_element_type3A_57 = arith.extui %gt3A_56 : i1 to i32
      %cond3A_58 = arith.constant 0 : i32
      %cond3A_59 = arith.cmpi ne, %convert_element_type3A_57, %cond3A_58 : i32
      scf.if %cond3A_59 {
        %dma_wait3A_72 = arith.constant 0 : i32
        %dma_wait3A_73 = tpu.memref_slice %arg3[%mul3A_2, %dma_wait3A_72] : memref<16384x200xi32, #tpu.memory_space<hbm>> -> memref<128x200xi32, #tpu.memory_space<hbm>>
        %dma_wait3A_74 = arith.constant 0 : i32
        %dma_wait3A_75 = tpu.memref_slice %arg3[%mul3A_2, %dma_wait3A_74] : memref<16384x200xi32, #tpu.memory_space<hbm>> -> memref<128x200xi32, #tpu.memory_space<hbm>>
        tpu.wait_dma2 semaphore(%arg11 : memref<!tpu.dma_semaphore, #tpu.memory_space<semaphore_mem>>) src(%arg7 : memref<128x200xi32, #tpu.memory_space<vmem>>) dst(%dma_wait3A_75 : memref<128x200xi32, #tpu.memory_space<hbm>>)
      } else {
      }
      %parallel_loop3A_60 = arith.constant 0 : i32
      %parallel_loop3A_61 = arith.constant 128 : i32
      %parallel_loop3A_62 = arith.constant 1 : i32
      scf.for %parallel_loop3A_72 = %parallel_loop3A_60 to %parallel_loop3A_61 step %parallel_loop3A_62  : i32 {
        %parallel_loop3A_73 = arith.index_cast %parallel_loop3A_72 : i32 to index
        %parallel_loop3A_74 = arith.constant 0 : index
        %parallel_loop3A_75 = tpu.vector_load %arg5[%parallel_loop3A_73, %parallel_loop3A_74] {strides = array<i32>} : memref<128x200xi32, #tpu.memory_space<vmem>>, vector<1x16xi32>,
        %parallel_loop3A_76 = vector.shape_cast %parallel_loop3A_75 : vector<1x16xi32> to vector<16xi32>
        %parallel_loop3A_77 = vector.bitcast %parallel_loop3A_76 : vector<16xi32> to vector<16xi32>
        %parallel_loop3A_78 = arith.constant 1000 : i32
        %parallel_loop3A_79 = vector.broadcast %parallel_loop3A_78 : i32 to vector<16xi32>
        %parallel_loop3A_80 = arith.cmpi ult, %parallel_loop3A_77, %parallel_loop3A_79 : vector<16xi32>
        %parallel_loop3A_81 = arith.constant 2 : i32
        %parallel_loop3A_82 = vector.broadcast %parallel_loop3A_81 : i32 to vector<16xi32>
        %parallel_loop3A_83 = arith.addi %parallel_loop3A_76, %parallel_loop3A_82 : vector<16xi32>
        %parallel_loop3A_84 = arith.constant 1 : i32
        %parallel_loop3A_85 = vector.broadcast %parallel_loop3A_84 : i32 to vector<16xi32>
        %parallel_loop3A_86 = arith.select %parallel_loop3A_80, %parallel_loop3A_83, %parallel_loop3A_85 : vector<16xi1>, vector<16xi32>
        %parallel_loop3A_87 = arith.constant 1 : i32
        %parallel_loop3A_88 = vector.broadcast %parallel_loop3A_87 : i32 to vector<16xi32>
        %parallel_loop3A_89 = arith.cmpi eq, %parallel_loop3A_76, %parallel_loop3A_88 : vector<16xi32>
        %parallel_loop3A_90 = arith.constant 0 : i32
        %parallel_loop3A_91 = vector.broadcast %parallel_loop3A_90 : i32 to vector<16xi32>
        %parallel_loop3A_92 = arith.select %parallel_loop3A_89, %parallel_loop3A_91, %parallel_loop3A_86 : vector<16xi1>, vector<16xi32>
        %parallel_loop3A_93 = arith.index_cast %parallel_loop3A_72 : i32 to index
        %parallel_loop3A_94 = arith.constant 0 : index
        %parallel_loop3A_95 = tpu.vector_load %arg7[%parallel_loop3A_93, %parallel_loop3A_94] {strides = array<i32>} : memref<128x200xi32, #tpu.memory_space<vmem>>, vector<1x16xi32>,
        %parallel_loop3A_96 = vector.shape_cast %parallel_loop3A_95 : vector<1x16xi32> to vector<16xi32>
        %parallel_loop3A_97 = vector.shape_cast %parallel_loop3A_92 : vector<16xi32> to vector<1x16xi32>
        tpu.vector_store %arg7[%parallel_loop3A_93, %parallel_loop3A_94], %parallel_loop3A_97 {strides = array<i32>} : memref<128x200xi32, #tpu.memory_space<vmem>>, vector<1x16xi32>,
        %parallel_loop3A_98 = arith.index_cast %parallel_loop3A_72 : i32 to index
        %parallel_loop3A_99 = arith.constant 16 : index
        %parallel_loop3A_100 = tpu.vector_load %arg5[%parallel_loop3A_98, %parallel_loop3A_99] {strides = array<i32>} : memref<128x200xi32, #tpu.memory_space<vmem>>, vector<1x16xi32>,
        %parallel_loop3A_101 = vector.shape_cast %parallel_loop3A_100 : vector<1x16xi32> to vector<16xi32>
        %parallel_loop3A_102 = vector.bitcast %parallel_loop3A_101 : vector<16xi32> to vector<16xi32>
        %parallel_loop3A_103 = arith.constant 1000 : i32
        %parallel_loop3A_104 = vector.broadcast %parallel_loop3A_103 : i32 to vector<16xi32>
        %parallel_loop3A_105 = arith.cmpi ult, %parallel_loop3A_102, %parallel_loop3A_104 : vector<16xi32>
        %parallel_loop3A_106 = arith.constant 2 : i32
        %parallel_loop3A_107 = vector.broadcast %parallel_loop3A_106 : i32 to vector<16xi32>
        %parallel_loop3A_108 = arith.addi %parallel_loop3A_101, %parallel_loop3A_107 : vector<16xi32>
        %parallel_loop3A_109 = arith.constant 1 : i32
        %parallel_loop3A_110 = vector.broadcast %parallel_loop3A_109 : i32 to vector<16xi32>
        %parallel_loop3A_111 = arith.select %parallel_loop3A_105, %parallel_loop3A_108, %parallel_loop3A_110 : vector<16xi1>, vector<16xi32>
        %parallel_loop3A_112 = arith.constant 1 : i32
        %parallel_loop3A_113 = vector.broadcast %parallel_loop3A_112 : i32 to vector<16xi32>
        %parallel_loop3A_114 = arith.cmpi eq, %parallel_loop3A_101, %parallel_loop3A_113 : vector<16xi32>
        %parallel_loop3A_115 = arith.constant 0 : i32
        %parallel_loop3A_116 = vector.broadcast %parallel_loop3A_115 : i32 to vector<16xi32>
        %parallel_loop3A_117 = arith.select %parallel_loop3A_114, %parallel_loop3A_116, %parallel_loop3A_111 : vector<16xi1>, vector<16xi32>
        %parallel_loop3A_118 = arith.index_cast %parallel_loop3A_72 : i32 to index
        %parallel_loop3A_119 = arith.constant 16 : index
        %parallel_loop3A_120 = tpu.vector_load %arg7[%parallel_loop3A_118, %parallel_loop3A_119] {strides = array<i32>} : memref<128x200xi32, #tpu.memory_space<vmem>>, vector<1x16xi32>,
        %parallel_loop3A_121 = vector.shape_cast %parallel_loop3A_120 : vector<1x16xi32> to vector<16xi32>
        %parallel_loop3A_122 = vector.shape_cast %parallel_loop3A_117 : vector<16xi32> to vector<1x16xi32>
        tpu.vector_store %arg7[%parallel_loop3A_118, %parallel_loop3A_119], %parallel_loop3A_122 {strides = array<i32>} : memref<128x200xi32, #tpu.memory_space<vmem>>, vector<1x16xi32>,
        %parallel_loop3A_123 = arith.index_cast %parallel_loop3A_72 : i32 to index
        %parallel_loop3A_124 = arith.constant 32 : index
        %parallel_loop3A_125 = tpu.vector_load %arg5[%parallel_loop3A_123, %parallel_loop3A_124] {strides = array<i32>} : memref<128x200xi32, #tpu.memory_space<vmem>>, vector<1x16xi32>,
        %parallel_loop3A_126 = vector.shape_cast %parallel_loop3A_125 : vector<1x16xi32> to vector<16xi32>
        %parallel_loop3A_127 = vector.bitcast %parallel_loop3A_126 : vector<16xi32> to vector<16xi32>
        %parallel_loop3A_128 = arith.constant 1000 : i32
        %parallel_loop3A_129 = vector.broadcast %parallel_loop3A_128 : i32 to vector<16xi32>
        %parallel_loop3A_130 = arith.cmpi ult, %parallel_loop3A_127, %parallel_loop3A_129 : vector<16xi32>
        %parallel_loop3A_131 = arith.constant 2 : i32
        %parallel_loop3A_132 = vector.broadcast %parallel_loop3A_131 : i32 to vector<16xi32>
        %parallel_loop3A_133 = arith.addi %parallel_loop3A_126, %parallel_loop3A_132 : vector<16xi32>
        %parallel_loop3A_134 = arith.constant 1 : i32
        %parallel_loop3A_135 = vector.broadcast %parallel_loop3A_134 : i32 to vector<16xi32>
        %parallel_loop3A_136 = arith.select %parallel_loop3A_130, %parallel_loop3A_133, %parallel_loop3A_135 : vector<16xi1>, vector<16xi32>
        %parallel_loop3A_137 = arith.constant 1 : i32
        %parallel_loop3A_138 = vector.broadcast %parallel_loop3A_137 : i32 to vector<16xi32>
        %parallel_loop3A_139 = arith.cmpi eq, %parallel_loop3A_126, %parallel_loop3A_138 : vector<16xi32>
        %parallel_loop3A_140 = arith.constant 0 : i32
        %parallel_loop3A_141 = vector.broadcast %parallel_loop3A_140 : i32 to vector<16xi32>
        %parallel_loop3A_142 = arith.select %parallel_loop3A_139, %parallel_loop3A_141, %parallel_loop3A_136 : vector<16xi1>, vector<16xi32>
        %parallel_loop3A_143 = arith.index_cast %parallel_loop3A_72 : i32 to index
        %parallel_loop3A_144 = arith.constant 32 : index
        %parallel_loop3A_145 = tpu.vector_load %arg7[%parallel_loop3A_143, %parallel_loop3A_144] {strides = array<i32>} : memref<128x200xi32, #tpu.memory_space<vmem>>, vector<1x16xi32>,
        %parallel_loop3A_146 = vector.shape_cast %parallel_loop3A_145 : vector<1x16xi32> to vector<16xi32>
        %parallel_loop3A_147 = vector.shape_cast %parallel_loop3A_142 : vector<16xi32> to vector<1x16xi32>
        tpu.vector_store %arg7[%parallel_loop3A_143, %parallel_loop3A_144], %parallel_loop3A_147 {strides = array<i32>} : memref<128x200xi32, #tpu.memory_space<vmem>>, vector<1x16xi32>,
        %parallel_loop3A_148 = arith.index_cast %parallel_loop3A_72 : i32 to index
        %parallel_loop3A_149 = arith.constant 48 : index
        %parallel_loop3A_150 = tpu.vector_load %arg5[%parallel_loop3A_148, %parallel_loop3A_149] {strides = array<i32>} : memref<128x200xi32, #tpu.memory_space<vmem>>, vector<1x16xi32>,
        %parallel_loop3A_151 = vector.shape_cast %parallel_loop3A_150 : vector<1x16xi32> to vector<16xi32>
        %parallel_loop3A_152 = vector.bitcast %parallel_loop3A_151 : vector<16xi32> to vector<16xi32>
        %parallel_loop3A_153 = arith.constant 1000 : i32
        %parallel_loop3A_154 = vector.broadcast %parallel_loop3A_153 : i32 to vector<16xi32>
        %parallel_loop3A_155 = arith.cmpi ult, %parallel_loop3A_152, %parallel_loop3A_154 : vector<16xi32>
        %parallel_loop3A_156 = arith.constant 2 : i32
        %parallel_loop3A_157 = vector.broadcast %parallel_loop3A_156 : i32 to vector<16xi32>
        %parallel_loop3A_158 = arith.addi %parallel_loop3A_151, %parallel_loop3A_157 : vector<16xi32>
        %parallel_loop3A_159 = arith.constant 1 : i32
        %parallel_loop3A_160 = vector.broadcast %parallel_loop3A_159 : i32 to vector<16xi32>
        %parallel_loop3A_161 = arith.select %parallel_loop3A_155, %parallel_loop3A_158, %parallel_loop3A_160 : vector<16xi1>, vector<16xi32>
        %parallel_loop3A_162 = arith.constant 1 : i32
        %parallel_loop3A_163 = vector.broadcast %parallel_loop3A_162 : i32 to vector<16xi32>
        %parallel_loop3A_164 = arith.cmpi eq, %parallel_loop3A_151, %parallel_loop3A_163 : vector<16xi32>
        %parallel_loop3A_165 = arith.constant 0 : i32
        %parallel_loop3A_166 = vector.broadcast %parallel_loop3A_165 : i32 to vector<16xi32>
        %parallel_loop3A_167 = arith.select %parallel_loop3A_164, %parallel_loop3A_166, %parallel_loop3A_161 : vector<16xi1>, vector<16xi32>
        %parallel_loop3A_168 = arith.index_cast %parallel_loop3A_72 : i32 to index
        %parallel_loop3A_169 = arith.constant 48 : index
        %parallel_loop3A_170 = tpu.vector_load %arg7[%parallel_loop3A_168, %parallel_loop3A_169] {strides = array<i32>} : memref<128x200xi32, #tpu.memory_space<vmem>>, vector<1x16xi32>,
        %parallel_loop3A_171 = vector.shape_cast %parallel_loop3A_170 : vector<1x16xi32> to vector<16xi32>
        %parallel_loop3A_172 = vector.shape_cast %parallel_loop3A_167 : vector<16xi32> to vector<1x16xi32>
        tpu.vector_store %arg7[%parallel_loop3A_168, %parallel_loop3A_169], %parallel_loop3A_172 {strides = array<i32>} : memref<128x200xi32, #tpu.memory_space<vmem>>, vector<1x16xi32>,
        %parallel_loop3A_173 = arith.index_cast %parallel_loop3A_72 : i32 to index
        %parallel_loop3A_174 = arith.constant 64 : index
        %parallel_loop3A_175 = tpu.vector_load %arg5[%parallel_loop3A_173, %parallel_loop3A_174] {strides = array<i32>} : memref<128x200xi32, #tpu.memory_space<vmem>>, vector<1x16xi32>,
        %parallel_loop3A_176 = vector.shape_cast %parallel_loop3A_175 : vector<1x16xi32> to vector<16xi32>
        %parallel_loop3A_177 = vector.bitcast %parallel_loop3A_176 : vector<16xi32> to vector<16xi32>
        %parallel_loop3A_178 = arith.constant 1000 : i32
        %parallel_loop3A_179 = vector.broadcast %parallel_loop3A_178 : i32 to vector<16xi32>
        %parallel_loop3A_180 = arith.cmpi ult, %parallel_loop3A_177, %parallel_loop3A_179 : vector<16xi32>
        %parallel_loop3A_181 = arith.constant 2 : i32
        %parallel_loop3A_182 = vector.broadcast %parallel_loop3A_181 : i32 to vector<16xi32>
        %parallel_loop3A_183 = arith.addi %parallel_loop3A_176, %parallel_loop3A_182 : vector<16xi32>
        %parallel_loop3A_184 = arith.constant 1 : i32
        %parallel_loop3A_185 = vector.broadcast %parallel_loop3A_184 : i32 to vector<16xi32>
        %parallel_loop3A_186 = arith.select %parallel_loop3A_180, %parallel_loop3A_183, %parallel_loop3A_185 : vector<16xi1>, vector<16xi32>
        %parallel_loop3A_187 = arith.constant 1 : i32
        %parallel_loop3A_188 = vector.broadcast %parallel_loop3A_187 : i32 to vector<16xi32>
        %parallel_loop3A_189 = arith.cmpi eq, %parallel_loop3A_176, %parallel_loop3A_188 : vector<16xi32>
        %parallel_loop3A_190 = arith.constant 0 : i32
        %parallel_loop3A_191 = vector.broadcast %parallel_loop3A_190 : i32 to vector<16xi32>
        %parallel_loop3A_192 = arith.select %parallel_loop3A_189, %parallel_loop3A_191, %parallel_loop3A_186 : vector<16xi1>, vector<16xi32>
        %parallel_loop3A_193 = arith.index_cast %parallel_loop3A_72 : i32 to index
        %parallel_loop3A_194 = arith.constant 64 : index
        %parallel_loop3A_195 = tpu.vector_load %arg7[%parallel_loop3A_193, %parallel_loop3A_194] {strides = array<i32>} : memref<128x200xi32, #tpu.memory_space<vmem>>, vector<1x16xi32>,
        %parallel_loop3A_196 = vector.shape_cast %parallel_loop3A_195 : vector<1x16xi32> to vector<16xi32>
        %parallel_loop3A_197 = vector.shape_cast %parallel_loop3A_192 : vector<16xi32> to vector<1x16xi32>
        tpu.vector_store %arg7[%parallel_loop3A_193, %parallel_loop3A_194], %parallel_loop3A_197 {strides = array<i32>} : memref<128x200xi32, #tpu.memory_space<vmem>>, vector<1x16xi32>,
        %parallel_loop3A_198 = arith.index_cast %parallel_loop3A_72 : i32 to index
        %parallel_loop3A_199 = arith.constant 80 : index
        %parallel_loop3A_200 = tpu.vector_load %arg5[%parallel_loop3A_198, %parallel_loop3A_199] {strides = array<i32>} : memref<128x200xi32, #tpu.memory_space<vmem>>, vector<1x16xi32>,
        %parallel_loop3A_201 = vector.shape_cast %parallel_loop3A_200 : vector<1x16xi32> to vector<16xi32>
        %parallel_loop3A_202 = vector.bitcast %parallel_loop3A_201 : vector<16xi32> to vector<16xi32>
        %parallel_loop3A_203 = arith.constant 1000 : i32
        %parallel_loop3A_204 = vector.broadcast %parallel_loop3A_203 : i32 to vector<16xi32>
        %parallel_loop3A_205 = arith.cmpi ult, %parallel_loop3A_202, %parallel_loop3A_204 : vector<16xi32>
        %parallel_loop3A_206 = arith.constant 2 : i32
        %parallel_loop3A_207 = vector.broadcast %parallel_loop3A_206 : i32 to vector<16xi32>
        %parallel_loop3A_208 = arith.addi %parallel_loop3A_201, %parallel_loop3A_207 : vector<16xi32>
        %parallel_loop3A_209 = arith.constant 1 : i32
        %parallel_loop3A_210 = vector.broadcast %parallel_loop3A_209 : i32 to vector<16xi32>
        %parallel_loop3A_211 = arith.select %parallel_loop3A_205, %parallel_loop3A_208, %parallel_loop3A_210 : vector<16xi1>, vector<16xi32>
        %parallel_loop3A_212 = arith.constant 1 : i32
        %parallel_loop3A_213 = vector.broadcast %parallel_loop3A_212 : i32 to vector<16xi32>
        %parallel_loop3A_214 = arith.cmpi eq, %parallel_loop3A_201, %parallel_loop3A_213 : vector<16xi32>
        %parallel_loop3A_215 = arith.constant 0 : i32
        %parallel_loop3A_216 = vector.broadcast %parallel_loop3A_215 : i32 to vector<16xi32>
        %parallel_loop3A_217 = arith.select %parallel_loop3A_214, %parallel_loop3A_216, %parallel_loop3A_211 : vector<16xi1>, vector<16xi32>
        %parallel_loop3A_218 = arith.index_cast %parallel_loop3A_72 : i32 to index
        %parallel_loop3A_219 = arith.constant 80 : index
        %parallel_loop3A_220 = tpu.vector_load %arg7[%parallel_loop3A_218, %parallel_loop3A_219] {strides = array<i32>} : memref<128x200xi32, #tpu.memory_space<vmem>>, vector<1x16xi32>,
        %parallel_loop3A_221 = vector.shape_cast %parallel_loop3A_220 : vector<1x16xi32> to vector<16xi32>
        %parallel_loop3A_222 = vector.shape_cast %parallel_loop3A_217 : vector<16xi32> to vector<1x16xi32>
        tpu.vector_store %arg7[%parallel_loop3A_218, %parallel_loop3A_219], %parallel_loop3A_222 {strides = array<i32>} : memref<128x200xi32, #tpu.memory_space<vmem>>, vector<1x16xi32>,
        %parallel_loop3A_223 = arith.index_cast %parallel_loop3A_72 : i32 to index
        %parallel_loop3A_224 = arith.constant 96 : index
        %parallel_loop3A_225 = tpu.vector_load %arg5[%parallel_loop3A_223, %parallel_loop3A_224] {strides = array<i32>} : memref<128x200xi32, #tpu.memory_space<vmem>>, vector<1x16xi32>,
        %parallel_loop3A_226 = vector.shape_cast %parallel_loop3A_225 : vector<1x16xi32> to vector<16xi32>
        %parallel_loop3A_227 = vector.bitcast %parallel_loop3A_226 : vector<16xi32> to vector<16xi32>
        %parallel_loop3A_228 = arith.constant 1000 : i32
        %parallel_loop3A_229 = vector.broadcast %parallel_loop3A_228 : i32 to vector<16xi32>
        %parallel_loop3A_230 = arith.cmpi ult, %parallel_loop3A_227, %parallel_loop3A_229 : vector<16xi32>
        %parallel_loop3A_231 = arith.constant 2 : i32
        %parallel_loop3A_232 = vector.broadcast %parallel_loop3A_231 : i32 to vector<16xi32>
        %parallel_loop3A_233 = arith.addi %parallel_loop3A_226, %parallel_loop3A_232 : vector<16xi32>
        %parallel_loop3A_234 = arith.constant 1 : i32
        %parallel_loop3A_235 = vector.broadcast %parallel_loop3A_234 : i32 to vector<16xi32>
        %parallel_loop3A_236 = arith.select %parallel_loop3A_230, %parallel_loop3A_233, %parallel_loop3A_235 : vector<16xi1>, vector<16xi32>
        %parallel_loop3A_237 = arith.constant 1 : i32
        %parallel_loop3A_238 = vector.broadcast %parallel_loop3A_237 : i32 to vector<16xi32>
        %parallel_loop3A_239 = arith.cmpi eq, %parallel_loop3A_226, %parallel_loop3A_238 : vector<16xi32>
        %parallel_loop3A_240 = arith.constant 0 : i32
        %parallel_loop3A_241 = vector.broadcast %parallel_loop3A_240 : i32 to vector<16xi32>
        %parallel_loop3A_242 = arith.select %parallel_loop3A_239, %parallel_loop3A_241, %parallel_loop3A_236 : vector<16xi1>, vector<16xi32>
        %parallel_loop3A_243 = arith.index_cast %parallel_loop3A_72 : i32 to index
        %parallel_loop3A_244 = arith.constant 96 : index
        %parallel_loop3A_245 = tpu.vector_load %arg7[%parallel_loop3A_243, %parallel_loop3A_244] {strides = array<i32>} : memref<128x200xi32, #tpu.memory_space<vmem>>, vector<1x16xi32>,
        %parallel_loop3A_246 = vector.shape_cast %parallel_loop3A_245 : vector<1x16xi32> to vector<16xi32>
        %parallel_loop3A_247 = vector.shape_cast %parallel_loop3A_242 : vector<16xi32> to vector<1x16xi32>
        tpu.vector_store %arg7[%parallel_loop3A_243, %parallel_loop3A_244], %parallel_loop3A_247 {strides = array<i32>} : memref<128x200xi32, #tpu.memory_space<vmem>>, vector<1x16xi32>,
        %parallel_loop3A_248 = arith.index_cast %parallel_loop3A_72 : i32 to index
        %parallel_loop3A_249 = arith.constant 112 : index
        %parallel_loop3A_250 = tpu.vector_load %arg5[%parallel_loop3A_248, %parallel_loop3A_249] {strides = array<i32>} : memref<128x200xi32, #tpu.memory_space<vmem>>, vector<1x16xi32>,
        %parallel_loop3A_251 = vector.shape_cast %parallel_loop3A_250 : vector<1x16xi32> to vector<16xi32>
        %parallel_loop3A_252 = vector.bitcast %parallel_loop3A_251 : vector<16xi32> to vector<16xi32>
        %parallel_loop3A_253 = arith.constant 1000 : i32
        %parallel_loop3A_254 = vector.broadcast %parallel_loop3A_253 : i32 to vector<16xi32>
        %parallel_loop3A_255 = arith.cmpi ult, %parallel_loop3A_252, %parallel_loop3A_254 : vector<16xi32>
        %parallel_loop3A_256 = arith.constant 2 : i32
        %parallel_loop3A_257 = vector.broadcast %parallel_loop3A_256 : i32 to vector<16xi32>
        %parallel_loop3A_258 = arith.addi %parallel_loop3A_251, %parallel_loop3A_257 : vector<16xi32>
        %parallel_loop3A_259 = arith.constant 1 : i32
        %parallel_loop3A_260 = vector.broadcast %parallel_loop3A_259 : i32 to vector<16xi32>
        %parallel_loop3A_261 = arith.select %parallel_loop3A_255, %parallel_loop3A_258, %parallel_loop3A_260 : vector<16xi1>, vector<16xi32>
        %parallel_loop3A_262 = arith.constant 1 : i32
        %parallel_loop3A_263 = vector.broadcast %parallel_loop3A_262 : i32 to vector<16xi32>
        %parallel_loop3A_264 = arith.cmpi eq, %parallel_loop3A_251, %parallel_loop3A_263 : vector<16xi32>
        %parallel_loop3A_265 = arith.constant 0 : i32
        %parallel_loop3A_266 = vector.broadcast %parallel_loop3A_265 : i32 to vector<16xi32>
        %parallel_loop3A_267 = arith.select %parallel_loop3A_264, %parallel_loop3A_266, %parallel_loop3A_261 : vector<16xi1>, vector<16xi32>
        %parallel_loop3A_268 = arith.index_cast %parallel_loop3A_72 : i32 to index
        %parallel_loop3A_269 = arith.constant 112 : index
        %parallel_loop3A_270 = tpu.vector_load %arg7[%parallel_loop3A_268, %parallel_loop3A_269] {strides = array<i32>} : memref<128x200xi32, #tpu.memory_space<vmem>>, vector<1x16xi32>,
        %parallel_loop3A_271 = vector.shape_cast %parallel_loop3A_270 : vector<1x16xi32> to vector<16xi32>
        %parallel_loop3A_272 = vector.shape_cast %parallel_loop3A_267 : vector<16xi32> to vector<1x16xi32>
        tpu.vector_store %arg7[%parallel_loop3A_268, %parallel_loop3A_269], %parallel_loop3A_272 {strides = array<i32>} : memref<128x200xi32, #tpu.memory_space<vmem>>, vector<1x16xi32>,
        %parallel_loop3A_273 = arith.index_cast %parallel_loop3A_72 : i32 to index
        %parallel_loop3A_274 = arith.constant 128 : index
        %parallel_loop3A_275 = tpu.vector_load %arg5[%parallel_loop3A_273, %parallel_loop3A_274] {strides = array<i32>} : memref<128x200xi32, #tpu.memory_space<vmem>>, vector<1x16xi32>,
        %parallel_loop3A_276 = vector.shape_cast %parallel_loop3A_275 : vector<1x16xi32> to vector<16xi32>
        %parallel_loop3A_277 = vector.bitcast %parallel_loop3A_276 : vector<16xi32> to vector<16xi32>
        %parallel_loop3A_278 = arith.constant 1000 : i32
        %parallel_loop3A_279 = vector.broadcast %parallel_loop3A_278 : i32 to vector<16xi32>
        %parallel_loop3A_280 = arith.cmpi ult, %parallel_loop3A_277, %parallel_loop3A_279 : vector<16xi32>
        %parallel_loop3A_281 = arith.constant 2 : i32
        %parallel_loop3A_282 = vector.broadcast %parallel_loop3A_281 : i32 to vector<16xi32>
        %parallel_loop3A_283 = arith.addi %parallel_loop3A_276, %parallel_loop3A_282 : vector<16xi32>
        %parallel_loop3A_284 = arith.constant 1 : i32
        %parallel_loop3A_285 = vector.broadcast %parallel_loop3A_284 : i32 to vector<16xi32>
        %parallel_loop3A_286 = arith.select %parallel_loop3A_280, %parallel_loop3A_283, %parallel_loop3A_285 : vector<16xi1>, vector<16xi32>
        %parallel_loop3A_287 = arith.constant 1 : i32
        %parallel_loop3A_288 = vector.broadcast %parallel_loop3A_287 : i32 to vector<16xi32>
        %parallel_loop3A_289 = arith.cmpi eq, %parallel_loop3A_276, %parallel_loop3A_288 : vector<16xi32>
        %parallel_loop3A_290 = arith.constant 0 : i32
        %parallel_loop3A_291 = vector.broadcast %parallel_loop3A_290 : i32 to vector<16xi32>
        %parallel_loop3A_292 = arith.select %parallel_loop3A_289, %parallel_loop3A_291, %parallel_loop3A_286 : vector<16xi1>, vector<16xi32>
        %parallel_loop3A_293 = arith.index_cast %parallel_loop3A_72 : i32 to index
        %parallel_loop3A_294 = arith.constant 128 : index
        %parallel_loop3A_295 = tpu.vector_load %arg7[%parallel_loop3A_293, %parallel_loop3A_294] {strides = array<i32>} : memref<128x200xi32, #tpu.memory_space<vmem>>, vector<1x16xi32>,
        %parallel_loop3A_296 = vector.shape_cast %parallel_loop3A_295 : vector<1x16xi32> to vector<16xi32>
        %parallel_loop3A_297 = vector.shape_cast %parallel_loop3A_292 : vector<16xi32> to vector<1x16xi32>
        tpu.vector_store %arg7[%parallel_loop3A_293, %parallel_loop3A_294], %parallel_loop3A_297 {strides = array<i32>} : memref<128x200xi32, #tpu.memory_space<vmem>>, vector<1x16xi32>,
        %parallel_loop3A_298 = arith.index_cast %parallel_loop3A_72 : i32 to index
        %parallel_loop3A_299 = arith.constant 144 : index
        %parallel_loop3A_300 = tpu.vector_load %arg5[%parallel_loop3A_298, %parallel_loop3A_299] {strides = array<i32>} : memref<128x200xi32, #tpu.memory_space<vmem>>, vector<1x16xi32>,
        %parallel_loop3A_301 = vector.shape_cast %parallel_loop3A_300 : vector<1x16xi32> to vector<16xi32>
        %parallel_loop3A_302 = vector.bitcast %parallel_loop3A_301 : vector<16xi32> to vector<16xi32>
        %parallel_loop3A_303 = arith.constant 1000 : i32
        %parallel_loop3A_304 = vector.broadcast %parallel_loop3A_303 : i32 to vector<16xi32>
        %parallel_loop3A_305 = arith.cmpi ult, %parallel_loop3A_302, %parallel_loop3A_304 : vector<16xi32>
        %parallel_loop3A_306 = arith.constant 2 : i32
        %parallel_loop3A_307 = vector.broadcast %parallel_loop3A_306 : i32 to vector<16xi32>
        %parallel_loop3A_308 = arith.addi %parallel_loop3A_301, %parallel_loop3A_307 : vector<16xi32>
        %parallel_loop3A_309 = arith.constant 1 : i32
        %parallel_loop3A_310 = vector.broadcast %parallel_loop3A_309 : i32 to vector<16xi32>
        %parallel_loop3A_311 = arith.select %parallel_loop3A_305, %parallel_loop3A_308, %parallel_loop3A_310 : vector<16xi1>, vector<16xi32>
        %parallel_loop3A_312 = arith.constant 1 : i32
        %parallel_loop3A_313 = vector.broadcast %parallel_loop3A_312 : i32 to vector<16xi32>
        %parallel_loop3A_314 = arith.cmpi eq, %parallel_loop3A_301, %parallel_loop3A_313 : vector<16xi32>
        %parallel_loop3A_315 = arith.constant 0 : i32
        %parallel_loop3A_316 = vector.broadcast %parallel_loop3A_315 : i32 to vector<16xi32>
        %parallel_loop3A_317 = arith.select %parallel_loop3A_314, %parallel_loop3A_316, %parallel_loop3A_311 : vector<16xi1>, vector<16xi32>
        %parallel_loop3A_318 = arith.index_cast %parallel_loop3A_72 : i32 to index
        %parallel_loop3A_319 = arith.constant 144 : index
        %parallel_loop3A_320 = tpu.vector_load %arg7[%parallel_loop3A_318, %parallel_loop3A_319] {strides = array<i32>} : memref<128x200xi32, #tpu.memory_space<vmem>>, vector<1x16xi32>,
        %parallel_loop3A_321 = vector.shape_cast %parallel_loop3A_320 : vector<1x16xi32> to vector<16xi32>
        %parallel_loop3A_322 = vector.shape_cast %parallel_loop3A_317 : vector<16xi32> to vector<1x16xi32>
        tpu.vector_store %arg7[%parallel_loop3A_318, %parallel_loop3A_319], %parallel_loop3A_322 {strides = array<i32>} : memref<128x200xi32, #tpu.memory_space<vmem>>, vector<1x16xi32>,
        %parallel_loop3A_323 = arith.index_cast %parallel_loop3A_72 : i32 to index
        %parallel_loop3A_324 = arith.constant 160 : index
        %parallel_loop3A_325 = tpu.vector_load %arg5[%parallel_loop3A_323, %parallel_loop3A_324] {strides = array<i32>} : memref<128x200xi32, #tpu.memory_space<vmem>>, vector<1x16xi32>,
        %parallel_loop3A_326 = vector.shape_cast %parallel_loop3A_325 : vector<1x16xi32> to vector<16xi32>
        %parallel_loop3A_327 = vector.bitcast %parallel_loop3A_326 : vector<16xi32> to vector<16xi32>
        %parallel_loop3A_328 = arith.constant 1000 : i32
        %parallel_loop3A_329 = vector.broadcast %parallel_loop3A_328 : i32 to vector<16xi32>
        %parallel_loop3A_330 = arith.cmpi ult, %parallel_loop3A_327, %parallel_loop3A_329 : vector<16xi32>
        %parallel_loop3A_331 = arith.constant 2 : i32
        %parallel_loop3A_332 = vector.broadcast %parallel_loop3A_331 : i32 to vector<16xi32>
        %parallel_loop3A_333 = arith.addi %parallel_loop3A_326, %parallel_loop3A_332 : vector<16xi32>
        %parallel_loop3A_334 = arith.constant 1 : i32
        %parallel_loop3A_335 = vector.broadcast %parallel_loop3A_334 : i32 to vector<16xi32>
        %parallel_loop3A_336 = arith.select %parallel_loop3A_330, %parallel_loop3A_333, %parallel_loop3A_335 : vector<16xi1>, vector<16xi32>
        %parallel_loop3A_337 = arith.constant 1 : i32
        %parallel_loop3A_338 = vector.broadcast %parallel_loop3A_337 : i32 to vector<16xi32>
        %parallel_loop3A_339 = arith.cmpi eq, %parallel_loop3A_326, %parallel_loop3A_338 : vector<16xi32>
        %parallel_loop3A_340 = arith.constant 0 : i32
        %parallel_loop3A_341 = vector.broadcast %parallel_loop3A_340 : i32 to vector<16xi32>
        %parallel_loop3A_342 = arith.select %parallel_loop3A_339, %parallel_loop3A_341, %parallel_loop3A_336 : vector<16xi1>, vector<16xi32>
        %parallel_loop3A_343 = arith.index_cast %parallel_loop3A_72 : i32 to index
        %parallel_loop3A_344 = arith.constant 160 : index
        %parallel_loop3A_345 = tpu.vector_load %arg7[%parallel_loop3A_343, %parallel_loop3A_344] {strides = array<i32>} : memref<128x200xi32, #tpu.memory_space<vmem>>, vector<1x16xi32>,
        %parallel_loop3A_346 = vector.shape_cast %parallel_loop3A_345 : vector<1x16xi32> to vector<16xi32>
        %parallel_loop3A_347 = vector.shape_cast %parallel_loop3A_342 : vector<16xi32> to vector<1x16xi32>
        tpu.vector_store %arg7[%parallel_loop3A_343, %parallel_loop3A_344], %parallel_loop3A_347 {strides = array<i32>} : memref<128x200xi32, #tpu.memory_space<vmem>>, vector<1x16xi32>,
        %parallel_loop3A_348 = arith.index_cast %parallel_loop3A_72 : i32 to index
        %parallel_loop3A_349 = arith.constant 176 : index
        %parallel_loop3A_350 = tpu.vector_load %arg5[%parallel_loop3A_348, %parallel_loop3A_349] {strides = array<i32>} : memref<128x200xi32, #tpu.memory_space<vmem>>, vector<1x16xi32>,
        %parallel_loop3A_351 = vector.shape_cast %parallel_loop3A_350 : vector<1x16xi32> to vector<16xi32>
        %parallel_loop3A_352 = vector.bitcast %parallel_loop3A_351 : vector<16xi32> to vector<16xi32>
        %parallel_loop3A_353 = arith.constant 1000 : i32
        %parallel_loop3A_354 = vector.broadcast %parallel_loop3A_353 : i32 to vector<16xi32>
        %parallel_loop3A_355 = arith.cmpi ult, %parallel_loop3A_352, %parallel_loop3A_354 : vector<16xi32>
        %parallel_loop3A_356 = arith.constant 2 : i32
        %parallel_loop3A_357 = vector.broadcast %parallel_loop3A_356 : i32 to vector<16xi32>
        %parallel_loop3A_358 = arith.addi %parallel_loop3A_351, %parallel_loop3A_357 : vector<16xi32>
        %parallel_loop3A_359 = arith.constant 1 : i32
        %parallel_loop3A_360 = vector.broadcast %parallel_loop3A_359 : i32 to vector<16xi32>
        %parallel_loop3A_361 = arith.select %parallel_loop3A_355, %parallel_loop3A_358, %parallel_loop3A_360 : vector<16xi1>, vector<16xi32>
        %parallel_loop3A_362 = arith.constant 1 : i32
        %parallel_loop3A_363 = vector.broadcast %parallel_loop3A_362 : i32 to vector<16xi32>
        %parallel_loop3A_364 = arith.cmpi eq, %parallel_loop3A_351, %parallel_loop3A_363 : vector<16xi32>
        %parallel_loop3A_365 = arith.constant 0 : i32
        %parallel_loop3A_366 = vector.broadcast %parallel_loop3A_365 : i32 to vector<16xi32>
        %parallel_loop3A_367 = arith.select %parallel_loop3A_364, %parallel_loop3A_366, %parallel_loop3A_361 : vector<16xi1>, vector<16xi32>
        %parallel_loop3A_368 = arith.index_cast %parallel_loop3A_72 : i32 to index
        %parallel_loop3A_369 = arith.constant 176 : index
        %parallel_loop3A_370 = tpu.vector_load %arg7[%parallel_loop3A_368, %parallel_loop3A_369] {strides = array<i32>} : memref<128x200xi32, #tpu.memory_space<vmem>>, vector<1x16xi32>,
        %parallel_loop3A_371 = vector.shape_cast %parallel_loop3A_370 : vector<1x16xi32> to vector<16xi32>
        %parallel_loop3A_372 = vector.shape_cast %parallel_loop3A_367 : vector<16xi32> to vector<1x16xi32>
        tpu.vector_store %arg7[%parallel_loop3A_368, %parallel_loop3A_369], %parallel_loop3A_372 {strides = array<i32>} : memref<128x200xi32, #tpu.memory_space<vmem>>, vector<1x16xi32>,
        %parallel_loop3A_373 = arith.index_cast %parallel_loop3A_72 : i32 to index
        %parallel_loop3A_374 = arith.constant 184 : index
        %parallel_loop3A_375 = tpu.vector_load %arg5[%parallel_loop3A_373, %parallel_loop3A_374] {strides = array<i32>} : memref<128x200xi32, #tpu.memory_space<vmem>>, vector<1x16xi32>,
        %parallel_loop3A_376 = vector.shape_cast %parallel_loop3A_375 : vector<1x16xi32> to vector<16xi32>
        %parallel_loop3A_377 = vector.bitcast %parallel_loop3A_376 : vector<16xi32> to vector<16xi32>
        %parallel_loop3A_378 = arith.constant 1000 : i32
        %parallel_loop3A_379 = vector.broadcast %parallel_loop3A_378 : i32 to vector<16xi32>
        %parallel_loop3A_380 = arith.cmpi ult, %parallel_loop3A_377, %parallel_loop3A_379 : vector<16xi32>
        %parallel_loop3A_381 = arith.constant 2 : i32
        %parallel_loop3A_382 = vector.broadcast %parallel_loop3A_381 : i32 to vector<16xi32>
        %parallel_loop3A_383 = arith.addi %parallel_loop3A_376, %parallel_loop3A_382 : vector<16xi32>
        %parallel_loop3A_384 = arith.constant 1 : i32
        %parallel_loop3A_385 = vector.broadcast %parallel_loop3A_384 : i32 to vector<16xi32>
        %parallel_loop3A_386 = arith.select %parallel_loop3A_380, %parallel_loop3A_383, %parallel_loop3A_385 : vector<16xi1>, vector<16xi32>
        %parallel_loop3A_387 = arith.constant 1 : i32
        %parallel_loop3A_388 = vector.broadcast %parallel_loop3A_387 : i32 to vector<16xi32>
        %parallel_loop3A_389 = arith.cmpi eq, %parallel_loop3A_376, %parallel_loop3A_388 : vector<16xi32>
        %parallel_loop3A_390 = arith.constant 0 : i32
        %parallel_loop3A_391 = vector.broadcast %parallel_loop3A_390 : i32 to vector<16xi32>
        %parallel_loop3A_392 = arith.select %parallel_loop3A_389, %parallel_loop3A_391, %parallel_loop3A_386 : vector<16xi1>, vector<16xi32>
        %parallel_loop3A_393 = arith.index_cast %parallel_loop3A_72 : i32 to index
        %parallel_loop3A_394 = arith.constant 184 : index
        %parallel_loop3A_395 = tpu.vector_load %arg7[%parallel_loop3A_393, %parallel_loop3A_394] {strides = array<i32>} : memref<128x200xi32, #tpu.memory_space<vmem>>, vector<1x16xi32>,
        %parallel_loop3A_396 = vector.shape_cast %parallel_loop3A_395 : vector<1x16xi32> to vector<16xi32>
        %parallel_loop3A_397 = vector.shape_cast %parallel_loop3A_392 : vector<16xi32> to vector<1x16xi32>
        tpu.vector_store %arg7[%parallel_loop3A_393, %parallel_loop3A_394], %parallel_loop3A_397 {strides = array<i32>} : memref<128x200xi32, #tpu.memory_space<vmem>>, vector<1x16xi32>,
      } {sc.loop_unroll_factor = 4 : i64, sc.parallel_access}
      %add3A_63 = arith.constant 1 : i32
      %add3A_64 = arith.addi %mul3A_22, %add3A_63 : i32
      %mul3A_65 = arith.constant 128 : i32
      %mul3A_66 = arith.muli %add3A_64, %mul3A_65 : i32
      %add3A_67 = arith.addi %mul3A_2, %mul3A_66 : i32
      %dma_start3A_68 = arith.constant 0 : i32
      %dma_start3A_69 = tpu.memref_slice %arg3[%add3A_67, %dma_start3A_68] : memref<16384x200xi32, #tpu.memory_space<hbm>> -> memref<128x200xi32, #tpu.memory_space<hbm>>
      %dma_start3A_70 = arith.constant 0 : i32
      %dma_start3A_71 = tpu.memref_slice %arg3[%add3A_67, %dma_start3A_70] : memref<16384x200xi32, #tpu.memory_space<hbm>> -> memref<128x200xi32, #tpu.memory_space<hbm>>
      tpu.enqueue_dma source(%arg7 : memref<128x200xi32, #tpu.memory_space<vmem>>) target(%dma_start3A_71 : memref<128x200xi32, #tpu.memory_space<hbm>>) target_semaphore(%arg11 : memref<!tpu.dma_semaphore, #tpu.memory_space<semaphore_mem>>)
    }
    %scan3A_12 = arith.constant 2 : i32
    %dma_wait3A = arith.constant 0 : i32
    %dma_wait3A_13 = tpu.memref_slice %arg3[%mul3A_2, %dma_wait3A] : memref<16384x200xi32, #tpu.memory_space<hbm>> -> memref<128x200xi32, #tpu.memory_space<hbm>>
    %dma_wait3A_14 = arith.constant 0 : i32
    %dma_wait3A_15 = tpu.memref_slice %arg3[%mul3A_2, %dma_wait3A_14] : memref<16384x200xi32, #tpu.memory_space<hbm>> -> memref<128x200xi32, #tpu.memory_space<hbm>>
    tpu.wait_dma2 semaphore(%arg10 : memref<!tpu.dma_semaphore, #tpu.memory_space<semaphore_mem>>) src(%arg6 : memref<128x200xi32, #tpu.memory_space<vmem>>) dst(%dma_wait3A_15 : memref<128x200xi32, #tpu.memory_space<hbm>>)
    %dma_wait3A_16 = arith.constant 0 : i32
    %dma_wait3A_17 = tpu.memref_slice %arg3[%mul3A_2, %dma_wait3A_16] : memref<16384x200xi32, #tpu.memory_space<hbm>> -> memref<128x200xi32, #tpu.memory_space<hbm>>
    %dma_wait3A_18 = arith.constant 0 : i32
    %dma_wait3A_19 = tpu.memref_slice %arg3[%mul3A_2, %dma_wait3A_18] : memref<16384x200xi32, #tpu.memory_space<hbm>> -> memref<128x200xi32, #tpu.memory_space<hbm>>
    tpu.wait_dma2 semaphore(%arg11 : memref<!tpu.dma_semaphore, #tpu.memory_space<semaphore_mem>>) src(%arg7 : memref<128x200xi32, #tpu.memory_space<vmem>>) dst(%dma_wait3A_19 : memref<128x200xi32, #tpu.memory_space<hbm>>)
    return
  }
}

</mosaic_0001>

<sc_bundles>
// kernel: kernel.3.cloned.1.call-start
scs
__scs_entry_jumppad:
0x0: {  	(pc) =	sbr.rel $0x88, $3  }
0x1: {  	(tag) =	ssettag $0x0;
	lr =	simm.s32 $0x1  }
0x2: {  	[smem:$0x3FA0] =	sst lr;
	_ =	strace $0xD0000000  }
0x3: {  	_ = 	snop  }
0x4: {  	_ = 	snop  }
0x5: {  	_ = 	snop  }
0x6: {  	_ = 	snop  }
0x7: {  	_ = 	snop  }
__scs_overlays_trampoline_lowered:
0x8: {  	[smem:$0x3FAF] =	sst s0  }
0x9: {  	[smem:$0x3FB0] =	sst s1  }
0xa: {  	[smem:$0x3FB1] =	sst s2  }
0xb: {  	[smem:$0x3FB2] =	sst s3  }
0xc: {  	[smem:$0x3FB3] =	sst s4  }
0xd: {  	[smem:$0x3FB4] =	sst s5  }
0xe: {  	[smem:$0x3FB5] =	sst s6  }
0xf: {  	[smem:$0x3FB6] =	sst s7  }
0x10: {  	[smem:$0x3FB7] =	sst s8  }
0x11: {  	[smem:$0x3FB8] =	sst s9;
	s0 =	simm.s32 @!p0 $0x0  }
0x12: {  	s1 =	sld [smem:$0x3F9E];
	s0 =	simm.s32 @p0 $0x1  }
0x13: {  	[smem:$0x3FB9] =	sst s0;
	s0 =	simm.s32 @!p1 $0x0  }
0x14: {  	s2 =	sld [smem:$0x3F9D];
	s0 =	simm.s32 @p1 $0x1  }
0x15: {  	[smem:$0x3FBA] =	sst s0;
	s0 =	simm.s32 @!p2 $0x0  }
0x16: {  	s3 =	sld [smem:$0x3FDB];
	s0 =	simm.s32 @p2 $0x1  }
0x17: {  	s4 =	simm.s32 $0x1BF5;
	[smem:$0x3FBC] =	sst s0  }
0x18: {  	s0 =	sld [smem:$0x3F9F];
	_ =	swait.ge [sflag:s4], $0x0  }
0x19: {  	s7 =	sld [smem:$0x3FA0]  }
0x1a: {  	s8 =	sadd.s32 $0xFFFFE003, lr  }
0x1b: {  	s9 =	sadd.s32 $0xFFFFFEF7, lr;
	s5 =	simm.s32 $0xFFFFFFFF;
	p2 =	slt.u32 s8, $0xFFFFF086  }
0x1c: {  	p1 =	slt.u32 s9, $0xF7A;
	s5 =	simm.s32 @!p2 $0x0  }
0x1d: {  	s5 =	simm.s32 @p1 $0x1;
	p0 =	seq.s32 s7, s2  }
0x1e: {  	s7 =	smul.u32 @!p0 $0xF7A, s2;
	p2 =	seq.s32 @!p0 s5, $0x0  }
0x1f: {  	s9 =	smul.u32 $0xF7A, s1;
	s8 =	simm.s32 @!p0 $0x1BF5;
	p2 =	por !p2, p0  }
0x20: {  	[sflag:s8] =	ssyncset.s32 @!p0 $0xFFFFF086;
	s6 =	sadd.s32 @!p0 s3, s7;
	s7 =	simm.s32 @!p0 $0x108  }
0x21: {  	s3 =	sadd.s32 s3, s9;
	s6 =	sadd.s32 @!p0 $0x88, s6;
	s7 =	simm.s32 @p2 $0x1082  }
0x22: {  	[simem:s7], [sflag:s8] =	dma.local @!p0 [hbm:s6], $0xF7A  }
0x23: {  	s9 =	sor.u32 $0xD0000000, s2;
	s6 =	simm.s32 $0x108;
	_ =	swait.ge @!p0 [sflag:s8], $0x0  }
0x24: {  	s3 =	sadd.s32 $0x88, s3;
	s6 =	simm.s32 @!p1 $0x1082;
	[sflag:s4] =	ssyncset.s32 $0xFFFFF086  }
0x25: {  	[simem:s6], [sflag:s4] =	dma.local [hbm:s3], $0xF7A  }
0x26: {  	[smem:$0x3FA0] =	sst s1;
	(tag) =	ssettag s2;
	_ =	strace s9  }
0x27: {  	s1 =	sld [smem:$0x3FB0]  }
0x28: {  	s2 =	sld [smem:$0x3FB1]  }
0x29: {  	s4 =	sld [smem:$0x3FB3]  }
0x2a: {  	p0 =	seq.s32 s5, $0x0;
	s5 =	sld [smem:$0x3FB4]  }
0x2b: {  	s6 =	sld [smem:$0x3FB5]  }
0x2c: {  	s7 =	sld [smem:$0x3FB6]  }
0x2d: {  	s3 =	simm.s32 $0x108;
	s8 =	sld [smem:$0x3FB7]  }
0x2e: {  	s3 =	simm.s32 @!p0 $0x1082;
	s9 =	sld [smem:$0x3FB8]  }
0x2f: {  	lr =	sadd.s32 s0, s3;
	s0 =	sld [smem:$0x3FAF]  }
0x30: {  	s3 =	sld [smem:$0x3FB2]  }
0x31: {  	[smem:$0x3FBB] =	sst s10  }
0x32: {  	s10 =	sld [smem:$0x3FB9];
	_ =	sdelay $0x3  }
0x33: {  	p0 =	seq.s32 s10, $0x1;
	s10 =	sld [smem:$0x3FBB];
	_ =	sdelay $0x3  }
0x34: {  	[smem:$0x3FBB] =	sst s10  }
0x35: {  	s10 =	sld [smem:$0x3FBA];
	_ =	sdelay $0x3  }
0x36: {  	p1 =	seq.s32 s10, $0x1;
	s10 =	sld [smem:$0x3FBB];
	_ =	sdelay $0x3  }
0x37: {  	[smem:$0x3FBB] =	sst s10  }
0x38: {  	s10 =	sld [smem:$0x3FBC]  }
0x39: {  	_ = 	snop;
	(pc) =	sbr.ind lr, $3  }
0x3a: {  	_ = 	snop  }
0x3b: {  	_ = 	snop  }
0x3c: {  	p2 =	seq.s32 s10, $0x1;
	s10 =	sld [smem:$0x3FBB]  }
0x3d: {  	_ =	shalt  }
0x3e: {  	_ =	shalt  }
0x3f: {  	_ =	shalt  }
0x40: {  	_ =	shalt  }
0x41: {  	_ =	shalt  }
0x42: {  	_ =	shalt  }
0x43: {  	_ =	shalt  }
0x44: {  	_ =	shalt  }
0x45: {  	_ =	shalt  }
0x46: {  	_ =	shalt  }
0x47: {  	_ =	shalt  }
0x48: {  	_ =	shalt  }
0x49: {  	_ =	shalt  }
0x4a: {  	_ =	shalt  }
0x4b: {  	_ =	shalt  }
0x4c: {  	_ =	shalt  }
0x4d: {  	_ =	shalt  }
0x4e: {  	_ =	shalt  }
0x4f: {  	_ =	shalt  }
0x50: {  	_ =	shalt  }
0x51: {  	_ =	shalt  }
0x52: {  	_ =	shalt  }
0x53: {  	_ =	shalt  }
0x54: {  	_ =	shalt  }
0x55: {  	_ =	shalt  }
0x56: {  	_ =	shalt  }
0x57: {  	_ =	shalt  }
0x58: {  	_ =	shalt  }
0x59: {  	_ =	shalt  }
0x5a: {  	_ =	shalt  }
0x5b: {  	_ =	shalt  }
0x5c: {  	_ =	shalt  }
0x5d: {  	_ =	shalt  }
0x5e: {  	_ =	shalt  }
0x5f: {  	_ =	shalt  }
0x60: {  	_ =	shalt  }
0x61: {  	_ =	shalt  }
0x62: {  	_ =	shalt  }
0x63: {  	_ =	shalt  }
0x64: {  	_ =	shalt  }
0x65: {  	_ =	shalt  }
0x66: {  	_ =	shalt  }
0x67: {  	_ =	shalt  }
0x68: {  	_ =	shalt  }
0x69: {  	_ =	shalt  }
0x6a: {  	_ =	shalt  }
0x6b: {  	_ =	shalt  }
0x6c: {  	_ =	shalt  }
0x6d: {  	_ =	shalt  }
0x6e: {  	_ =	shalt  }
0x6f: {  	_ =	shalt  }
0x70: {  	_ =	shalt  }
0x71: {  	_ =	shalt  }
0x72: {  	_ =	shalt  }
0x73: {  	_ =	shalt  }
0x74: {  	_ =	shalt  }
0x75: {  	_ =	shalt  }
0x76: {  	_ =	shalt  }
0x77: {  	_ =	shalt  }
0x78: {  	_ =	shalt  }
0x79: {  	_ =	shalt  }
0x7a: {  	_ =	shalt  }
0x7b: {  	_ =	shalt  }
0x7c: {  	_ =	shalt  }
0x7d: {  	_ =	shalt  }
0x7e: {  	_ =	shalt  }
0x7f: {  	_ =	shalt  }
0x80: {  	_ =	shalt  }
0x81: {  	_ =	shalt  }
0x82: {  	_ =	shalt  }
0x83: {  	_ =	shalt  }
0x84: {  	_ =	shalt  }
0x85: {  	_ =	shalt  }
0x86: {  	_ =	shalt  }
0x87: {  	_ =	shalt  }
.Lfunc_end0:
.L_simem_size_0:
called_computation_lowered:
.L_overlay_start_0:
0x88: {  	s2 =	sld [smem:$0x3FD9]  }
0x89: {  	s3 =	sld [smem:$0x3FFE];
	_ =	sdelay $0x1  }
0x8a: {  	s1 =	srdreg.scid  }
0x8b: {  	s0 =	sand.u32 $0x1, s1  }
0x8c: {  	s16 =	sshll.u32 s0, $0xA;
	s2 =	sadd.s32 s3, s2  }
0x8d: {  	s2 =	sadd.s32 s2, s16  }
0x8e: {  	[smem:$0x3FC7] =	sst s2  }
0x8f: {  	_ = 	snop  }
0x90: {  	(tm) =	ssettm $0x1  }
0x91: {  	s17 =	sld [smem:$0x3FFB];
	_ =	sdelay $0x3  }
0x92: {  	_ =	strace s17  }
0x93: {  	s2 =	sld [smem:$0x3FFC];
	_ =	sdelay $0x3  }
0x94: {  	_ =	strace s2  }
0x95: {  	s2 =	sld [smem:$0x3FFD];
	_ =	sdelay $0x3  }
0x96: {  	_ =	strace s2  }
0x97: {  	_ =	strace $0x8FFFFFFF  }
0x98: {  	s18 =	sld [smem:$0x3FDB];
	_ =	sdelay $0x1  }
0x99: {  	s19 =	simm.s32 $_scs_section_size  }
0x9a: {  	s4 =	simm.s32 $_size__tile_overlayer_lowered;
	s5 =	simm.s32 $_tile_overlayer_lowered  }
0x9b: {  	s22 =	simm.s32 $0x1BFF;
	s21 =	sshll.u32 s5, $0x1;
	s2 =	sadd.s32 s19, s18  }
0x9c: {  	s6 =	simm.s32 $0x0;
	s20 =	sshll.u32 s4, $0x1;
	s4 =	sadd.s32 s21, s2  }
0x9d: {  	[timem:s6], [sflag:s22] =	dma.local [hbm:s4], s20  }
0x9e: {  	_ =	swait.ge [sflag:s22], s20  }
0x9f: {  	s3 =	ssub.s32 $0x0, s20;
	[sflag:s22] =	ssyncset.done $0x0  }
0xa0: {  	[sflag:s22] =	ssyncadd.s32 s3;
	_ =	sdelay $0x1  }
0xa1: {  	s23 =	simm.s32 $0x1B8B  }
0xa2: {  	_ =	swait.ge [sflag:s23], $0x1  }
0xa3: {  	[sflag:s23] =	ssyncset.done $0x0  }
0xa4: {  	s25 =	simm.s32 $0x1B8E;
	s24 =	sld [smem:$0x3FFE];
	[sflag:s23] =	ssyncadd.s32 $0xFFFFFFFF  }
0xa5: {  	s26 =	simm.s32 $execute0_lowered;
	[smem:$0x3FD2] =	sst s25  }
0xa6: {  	s4 =	sshll.u32 s26, $0x1;
	_ =	strace $0x80000046;
	[dreg:$0x1] =	wrdreg $0xFFFFFFFF  }
0xa7: {  	s28 =	simm.s32 $_size_execute0_lowered;
	s2 =	sadd.s32 s2, s4;
	[dreg:$0x0] =	wrdreg $0x0  }
0xa8: {  	s4 =	sshll.u32 s28, $0x1;
	[dreg:$0x2] =	wrdreg s2  }
0xa9: {  	[dreg:$0x3] =	wrdreg s4  }
0xaa: {  	[dreg:$0x4] =	wrdreg $0xC0  }
0xab: {  	_ =	task [dreg:s6], $0x5FFFF  }
0xac: {  	[dreg:$0x1] =	wrdreg $0xFFFFFFFF  }
0xad: {  	[dreg:$0x0] =	wrdreg $0x60  }
0xae: {  	[dreg:$0x2] =	wrdreg s24  }
0xaf: {  	[dreg:$0x3] =	wrdreg $0x9  }
0xb0: {  	_ =	task.clear_ibuf [dreg:s6], $0x4FFFF;
	_ =	strace $0x90000046  }
0xb1: {  	s29 =	simm.s32 $0x9;
	_ =	strace $0x80000048  }
0xb2: {  	_ =	swait.ge [sflag:s29], $0x1  }
0xb3: {  	[sflag:s29] =	ssyncadd.s32 $0xFFFFFFFF  }
0xb4: {  	_ =	strace $0x90000048  }
0xb5: {  	_ =	sfence  }
0xb6: {  	s30 =	sld [smem:$0x0];
	_ =	sdelay $0x2  }
0xb7: {  	s31 =	sshll.u32 s1, $0xD;
	s1 =	sshrl.u32 s1, $0x2  }
0xb8: {  	s3 =	sand.u32 $0x4000, s31;
	s1 =	sadd.s32 s1, s30  }
0xb9: {  	s0 =	sor.u32 s3, s0;
	s1 =	sshll.u32 s1, $0x11  }
0xba: {  	s0 =	sor.u32 s1, s0  }
0xbb: {  	s0 =	sadd.s32 $0x8F2B, s0  }
0xbc: {  	[sflag:s0] =	ssyncadd.remote.s32 $0x1  }
0xbd: {  	_ =	sfence.sel $0xFFFF  }
0xbe: {  	[dreg:$0x0] =	wrdreg $0xFFFFFFFF;
	(pc) =	sbr.abs _section_cstart, $3  }
0xbf: {  	[dreg:$0x1] =	wrdreg $0xFFFFFFFF  }
0xc0: {  	_ =	task.clear_ibuf [dreg:s6], $0x2FFFF;
	_ =	strace $0x9FFFFFFF  }
0xc1: {  	(tm) =	ssettm $0x7FFFFFFF  }
tec
execute0_lowered:
.L_overlay_start_1:
0x0: {  	(tag) =	ssettag $0x1  }
0x1: {  	s5 =	rddreg [dreg:$0x0];
	s2 =	simm.s32 $0x0;
	s3 =	srdreg.scid  }
0x2: {  	s0 =	stileid.u32;
	s10 =	simm.s32 $0x8000;
	s11 =	simm.s32 $0x1  }
0x3: {  	s12 =	simm.s32 $0x10000;
	s13 =	simm.s32 $0x18000;
	s14 =	simm.s32 $0x3  }
0x4: {  	s15 =	simm.s32 $0x4;
	s16 =	simm.s32 $0x0;
	[smem:$0x7FF] =	sst s2  }
0x5: {  	s4 =	sand.u32 $0x1, s3;
	s6 =	sshll.u32 s0, $0xA;
	s3 =	sadd.s32 $0x400, s5  }
0x6: {  	s5 =	sadd.s32 $0x80400, s5;
	s7 =	sshll.u32 s4, $0x9;
	s8 =	ssub.s32 $0x2, s4  }
0x7: {  	_ =	strace $0x80000047;
	s4 =	sor.u32 s7, s6;
	s31 =	sshrl.u32 s8, $0x1  }
0x8: {  	s7 =	sshll.u32 s4, $0x5;
	s9 =	ssub.s32 s8, s31;
	s8 =	sor.u32 $0x100, s4  }
0x9: {  	s6 =	sadd.s32 s3, s7;
	s7 =	sadd.s32 s5, s7;
	s9 =	smax.u32 s9, $0x1  }
.LBB2_1:
0xa: {  	[tilespmem:s2], [sflag:$0x1] =	stream.linear.gather [hbm4b:s6+s2], $0x8000, $0x38;
	v63 =	vld [tilespmem:$0x0]  }
0xb: {  	p4 =	por $0x1, $0x1  }
0xc: {  	p0 =	por $0x0, $0x0;
	p2 =	por $0x0, $0x0;
	s18 =	simm.s32 $0x0  }
.LBB2_2:
0xd: {  	s19 =	sshll.u32 s18, $0x8  }
0xe: {  	s17 =	sor.u32 s19, s4  }
0xf: {  	s17 =	sshll.u32 s17, $0x5  }
0x10: {  	s17 =	sor.u32 $0x1000, s17  }
0x11: {  	s20 =	sadd.s32 s3, s17  }
0x12: {  	[tilespmem:s10], [sflag:$0x2] =	stream.linear.gather [hbm4b:s20+s2], $0x8000, $0x38;
	v63 =	vld [tilespmem:$0x0]  }
0x13: {  	_ =	swait.ge [sflag:s11], $0x8000  }
0x14: {  	[sflag:s11] =	ssyncset.done $0x0  }
0x15: {  	s20 =	simm.s32 @p2 $0x3;
	[sflag:s11] =	ssyncadd.s32 $0xFFFF8000  }
0x16: {  	s21 =	simm.s32 $0x0;
	_ =	swait.ge @p2 [sflag:s20], $0x8000  }
0x17: {  	s22 =	sand.u32 $0x7800, s21;
	s21 =	sand.u32 $0x200, s21;
	[sflag:s20] =	ssyncset.done @p2 $0x0  }
0x18: {  	[sflag:s20] =	ssyncadd.s32 @p2 $0xFFFF8000;
	s20 =	sor.u32 s21, s22  }
0x19: {  	v0 =	vld [tilespmem:s20+$0x0]  }
0x1a: {  	v1 =	vld [tilespmem:s20+$0x10]  }
0x1b: {  	v2 =	vld [tilespmem:s20+$0x20]  }
0x1c: {  	v3 =	vld [tilespmem:s20+$0x30]  }
0x1d: {  	v4 =	vld [tilespmem:s20+$0x40]  }
0x1e: {  	v5 =	vld [tilespmem:s20+$0x50]  }
0x1f: {  	v6 =	vld [tilespmem:s20+$0x60];
	_ =	sdelay $0x2  }
0x20: {  	vm2 =	veq.s32 v0, $0x1;
	vm3 =	veq.s32 v1, $0x1;
	vm4 =	veq.s32 v2, $0x1  }
0x21: {  	vm5 =	veq.s32 v3, $0x1;
	vm6 =	veq.s32 v4, $0x1;
	vm1 =	veq.s32 v5, $0x1  }
0x22: {  	vm0 =	veq.s32 v6, $0x1;
	vm7 =	vlt.u32 v0, $0x3E8;
	v0 =	vadd.s32 $0x2, v0  }
0x23: {  	vm8 =	vlt.u32 v1, $0x3E8;
	v1 =	vadd.s32 $0x2, v1;
	vm9 =	vlt.u32 v2, $0x3E8  }
0x24: {  	v7 =	vld [tilespmem:s20+$0x70];
	v2 =	vadd.s32 $0x2, v2;
	vm10 =	vlt.u32 v3, $0x3E8;
	v3 =	vadd.s32 $0x2, v3  }
0x25: {  	vm11 =	vlt.u32 v4, $0x3E8;
	v4 =	vadd.s32 $0x2, v4;
	v0 =	vnsel vm7, $0x1, v0  }
0x26: {  	vm7 =	vlt.u32 v5, $0x3E8;
	v1 =	vnsel vm8, $0x1, v1;
	v0 =	vsel vm2, $0x0, v0  }
0x27: {  	v5 =	vadd.s32 $0x2, v5;
	v2 =	vnsel vm9, $0x1, v2;
	v1 =	vsel vm3, $0x0, v1;
	[tilespmem:s20+$0x10000] =	vst v0  }
0x28: {  	vm2 =	vlt.u32 v6, $0x3E8;
	v2 =	vsel vm4, $0x0, v2;
	v0 =	vnsel vm10, $0x1, v3;
	[tilespmem:s20+$0x10010] =	vst v1  }
0x29: {  	vm3 =	vlt.u32 v7, $0x3E8;
	v3 =	vnsel vm11, $0x1, v4;
	[tilespmem:s20+$0x10020] =	vst v2;
	v0 =	vsel vm5, $0x0, v0  }
0x2a: {  	s21 =	simm.s32 $0x1;
	v1 =	vadd.s32 $0x2, v6;
	v2 =	vnsel vm7, $0x1, v5;
	v3 =	vsel vm6, $0x0, v3;
	[tilespmem:s20+$0x10030] =	vst v0  }
0x2b: {  	s21 =	simm.s32 @!p0 $0x0;
	v1 =	vnsel vm2, $0x1, v1;
	v2 =	vsel vm1, $0x0, v2;
	v0 =	vadd.s32 $0x2, v7;
	[tilespmem:s20+$0x10040] =	vst v3  }
0x2c: {  	s21 =	sshll.u32 s21, $0x9;
	vm1 =	veq.s32 v7, $0x1;
	v1 =	vsel vm0, $0x0, v1;
	[tilespmem:s20+$0x10050] =	vst v2;
	v0 =	vnsel vm3, $0x1, v0  }
0x2d: {  	s21 =	sadd.s32 $0x0, s21;
	[tilespmem:s20+$0x10060] =	vst v1;
	v0 =	vsel vm1, $0x0, v0  }
0x2e: {  	s23 =	sor.u32 $0x400, s21;
	[tilespmem:s20+$0x10070] =	vst v0  }
0x2f: {  	v0 =	vld [tilespmem:s23+$0x0];
	_ =	sdelay $0x4  }
0x30: {  	vm0 =	vlt.u32 v0, $0x3E8;
	v1 =	vadd.s32 $0x2, v0  }
0x31: {  	v1 =	vnsel vm0, $0x1, v1;
	vm0 =	veq.s32 v0, $0x1  }
0x32: {  	v0 =	vsel vm0, $0x0, v1  }
0x33: {  	s24 =	sor.u32 $0x410, s21;
	[tilespmem:s23+$0x10000] =	vst v0  }
0x34: {  	v0 =	vld [tilespmem:s24+$0x0];
	_ =	sdelay $0x4  }
0x35: {  	vm0 =	vlt.u32 v0, $0x3E8;
	v1 =	vadd.s32 $0x2, v0  }
0x36: {  	v1 =	vnsel vm0, $0x1, v1;
	vm0 =	veq.s32 v0, $0x1  }
0x37: {  	v0 =	vsel vm0, $0x0, v1  }
0x38: {  	s25 =	sor.u32 $0x420, s21;
	[tilespmem:s24+$0x10000] =	vst v0  }
0x39: {  	v0 =	vld [tilespmem:s25+$0x0];
	_ =	sdelay $0x4  }
0x3a: {  	vm0 =	vlt.u32 v0, $0x3E8;
	v1 =	vadd.s32 $0x2, v0  }
0x3b: {  	v1 =	vnsel vm0, $0x1, v1;
	vm0 =	veq.s32 v0, $0x1  }
0x3c: {  	v0 =	vsel vm0, $0x0, v1  }
0x3d: {  	s26 =	sor.u32 $0x430, s21;
	[tilespmem:s25+$0x10000] =	vst v0  }
0x3e: {  	v0 =	vld [tilespmem:s26+$0x0];
	_ =	sdelay $0x4  }
0x3f: {  	vm0 =	vlt.u32 v0, $0x3E8;
	v1 =	vadd.s32 $0x2, v0  }
0x40: {  	v1 =	vnsel vm0, $0x1, v1;
	vm0 =	veq.s32 v0, $0x1  }
0x41: {  	v0 =	vsel vm0, $0x0, v1  }
0x42: {  	s23 =	sor.u32 $0x440, s21;
	[tilespmem:s26+$0x10000] =	vst v0  }
0x43: {  	v1 =	vld.msk [tilespmem:s23+$0x0], $0xff;
	_ =	sdelay $0x4  }
0x44: {  	vm0 =	vlt.u32 v1, $0x3E8;
	v2 =	vadd.s32 $0x2, v1  }
0x45: {  	v2 =	vnsel vm0, $0x1, v2;
	vm0 =	veq.s32 v1, $0x1  }
0x46: {  	[tilespmem:s26+$0x10000] =	vst v0;
	v1 =	vsel vm0, $0x0, v2  }
0x47: {  	[tilespmem:s23+$0x10000] =	vst.msk $0xff, v1  }
0x48: {  	v0 =	vld [tilespmem:s20+$0x80]  }
0x49: {  	v1 =	vld [tilespmem:s20+$0x90]  }
0x4a: {  	v2 =	vld [tilespmem:s20+$0xA0]  }
0x4b: {  	v3 =	vld [tilespmem:s20+$0xB0]  }
0x4c: {  	v4 =	vld [tilespmem:s20+$0xC0]  }
0x4d: {  	v5 =	vld [tilespmem:s20+$0xD0]  }
0x4e: {  	v6 =	vld [tilespmem:s20+$0xE0];
	_ =	sdelay $0x2  }
0x4f: {  	vm4 =	veq.s32 v0, $0x1;
	vm5 =	veq.s32 v1, $0x1;
	vm6 =	veq.s32 v2, $0x1  }
0x50: {  	vm3 =	veq.s32 v3, $0x1;
	vm2 =	veq.s32 v4, $0x1;
	vm7 =	vlt.u32 v0, $0x3E8  }
0x51: {  	vm1 =	veq.s32 v5, $0x1;
	vm0 =	veq.s32 v6, $0x1;
	v0 =	vadd.s32 $0x2, v0  }
0x52: {  	vm8 =	vlt.u32 v1, $0x3E8;
	v1 =	vadd.s32 $0x2, v1;
	vm9 =	vlt.u32 v2, $0x3E8  }
0x53: {  	v2 =	vadd.s32 $0x2, v2;
	vm10 =	vlt.u32 v3, $0x3E8;
	v3 =	vadd.s32 $0x2, v3  }
0x54: {  	s29 =	simm.s32 $0x200;
	s31 =	simm.s32 $0x400;
	v7 =	vld [tilespmem:s20+$0xF0];
	vm11 =	vlt.u32 v4, $0x3E8;
	v4 =	vadd.s32 $0x2, v4;
	v0 =	vnsel vm7, $0x1, v0  }
0x55: {  	s22 =	sand.u32 $0x200, s29;
	s23 =	sand.u32 $0x7800, s31;
	v1 =	vnsel vm8, $0x1, v1;
	v0 =	vsel vm4, $0x0, v0;
	vm4 =	vlt.u32 v5, $0x3E8  }
0x56: {  	s22 =	sor.u32 s22, s23;
	[tilespmem:s20+$0x10080] =	vst v0;
	v0 =	vsel vm5, $0x0, v1;
	v1 =	vnsel vm9, $0x1, v2;
	v2 =	vadd.s32 $0x2, v5  }
0x57: {  	v8 =	vld [tilespmem:s22+$0x40];
	vm5 =	vlt.u32 v6, $0x3E8;
	[tilespmem:s20+$0x10090] =	vst v0;
	v0 =	vsel vm6, $0x0, v1;
	v1 =	vnsel vm10, $0x1, v3  }
0x58: {  	v5 =	vld [tilespmem:s22+$0x0];
	[tilespmem:s20+$0x100A0] =	vst v0;
	v0 =	vsel vm3, $0x0, v1;
	v1 =	vnsel vm11, $0x1, v4;
	v4 =	vadd.s32 $0x2, v6  }
0x59: {  	v3 =	vld [tilespmem:s22+$0x10];
	[tilespmem:s20+$0x100B0] =	vst v0;
	v0 =	vsel vm2, $0x0, v1;
	v1 =	vnsel vm4, $0x1, v2;
	vm2 =	vlt.u32 v7, $0x3E8  }
0x5a: {  	v6 =	vld [tilespmem:s22+$0x20];
	[tilespmem:s20+$0x100C0] =	vst v0;
	v0 =	vsel vm1, $0x0, v1;
	v1 =	vnsel vm5, $0x1, v4;
	v4 =	vadd.s32 $0x2, v7  }
0x5b: {  	v2 =	vld [tilespmem:s22+$0x30];
	[tilespmem:s20+$0x100D0] =	vst v0;
	v0 =	vsel vm0, $0x0, v1;
	v1 =	vnsel vm2, $0x1, v4;
	vm0 =	veq.s32 v7, $0x1  }
0x5c: {  	s24 =	sadd.s32 $0x80, s21;
	v4 =	vld [tilespmem:s22+$0x50];
	[tilespmem:s20+$0x100E0] =	vst v0;
	v0 =	vsel vm0, $0x0, v1  }
0x5d: {  	s0 =	sor.u32 $0x400, s24;
	vm11 =	vlt.u32 v8, $0x3E8;
	vm5 =	veq.s32 v5, $0x1;
	vm2 =	veq.s32 v8, $0x1;
	v1 =	vld [tilespmem:s22+$0x60];
	[tilespmem:s20+$0x100F0] =	vst v0  }
0x5e: {  	vm7 =	vlt.u32 v5, $0x3E8;
	v5 =	vadd.s32 $0x2, v5;
	v8 =	vadd.s32 $0x2, v8;
	v0 =	vld [tilespmem:s0+$0x0]  }
0x5f: {  	vm6 =	veq.s32 v3, $0x1;
	vm9 =	vlt.u32 v3, $0x3E8;
	v5 =	vnsel vm7, $0x1, v5  }
0x60: {  	vm3 =	veq.s32 v2, $0x1;
	vm10 =	vlt.u32 v2, $0x3E8;
	v2 =	vadd.s32 $0x2, v2  }
0x61: {  	vm4 =	veq.s32 v6, $0x1;
	v2 =	vnsel vm10, $0x1, v2;
	vm1 =	veq.s32 v4, $0x1  }
0x62: {  	vm7 =	vlt.u32 v4, $0x3E8;
	v4 =	vadd.s32 $0x2, v4;
	v2 =	vsel vm3, $0x0, v2  }
0x63: {  	vm0 =	veq.s32 v1, $0x1;
	vm8 =	vlt.u32 v0, $0x3E8;
	v7 =	vadd.s32 $0x2, v0  }
0x64: {  	v4 =	vnsel vm7, $0x1, v4;
	v7 =	vnsel vm8, $0x1, v7;
	vm8 =	veq.s32 v0, $0x1  }
0x65: {  	[tilespmem:s22+$0x10030] =	vst v2;
	v0 =	vadd.s32 $0x2, v3;
	v3 =	vsel vm8, $0x0, v7;
	vm8 =	vlt.u32 v6, $0x3E8;
	v7 =	vld [tilespmem:s22+$0x70]  }
0x66: {  	s25 =	sor.u32 $0x410, s24;
	v6 =	vadd.s32 $0x2, v6;
	v0 =	vnsel vm9, $0x1, v0;
	[tilespmem:s0+$0x10000] =	vst v3;
	v3 =	vsel vm5, $0x0, v5  }
0x67: {  	v4 =	vsel vm1, $0x0, v4;
	v5 =	vnsel vm8, $0x1, v6;
	v0 =	vsel vm6, $0x0, v0;
	[tilespmem:s22+$0x10000] =	vst v3;
	v3 =	vld [tilespmem:s25+$0x0]  }
0x68: {  	vm5 =	vlt.u32 v1, $0x3E8;
	[tilespmem:s22+$0x10010] =	vst v0;
	v0 =	vadd.s32 $0x2, v1;
	v1 =	vnsel vm11, $0x1, v8  }
0x69: {  	p3 =	por !p0, !p0;
	s23 =	simm.s32 $0x1;
	[tilespmem:s22+$0x10050] =	vst v4;
	v5 =	vsel vm4, $0x0, v5;
	v1 =	vsel vm2, $0x0, v1  }
0x6a: {  	s23 =	simm.s32 @!p3 $0x0;
	[tilespmem:s22+$0x10020] =	vst v5;
	v0 =	vnsel vm5, $0x1, v0;
	vm3 =	vlt.u32 v7, $0x3E8;
	v2 =	vadd.s32 $0x2, v7  }
0x6b: {  	s23 =	sshll.u32 s23, $0x9;
	[tilespmem:s22+$0x10040] =	vst v1;
	v0 =	vsel vm0, $0x0, v0;
	vm1 =	veq.s32 v7, $0x1;
	v1 =	vnsel vm3, $0x1, v2  }
0x6c: {  	s23 =	sadd.s32 $0x400, s23;
	[tilespmem:s22+$0x10060] =	vst v0;
	vm0 =	vlt.u32 v3, $0x3E8;
	v2 =	vadd.s32 $0x2, v3;
	v1 =	vsel vm1, $0x0, v1  }
0x6d: {  	s26 =	sor.u32 $0x400, s23;
	v0 =	vnsel vm0, $0x1, v2;
	vm0 =	veq.s32 v3, $0x1;
	[tilespmem:s22+$0x10070] =	vst v1  }
0x6e: {  	v0 =	vsel vm0, $0x0, v0;
	v1 =	vld [tilespmem:s26+$0x0]  }
0x6f: {  	s1 =	sor.u32 $0x420, s24;
	[tilespmem:s25+$0x10000] =	vst v0  }
0x70: {  	v0 =	vld [tilespmem:s1+$0x0];
	_ =	sdelay $0x2  }
0x71: {  	vm0 =	vlt.u32 v1, $0x3E8;
	v2 =	vadd.s32 $0x2, v1  }
0x72: {  	v2 =	vnsel vm0, $0x1, v2;
	vm0 =	veq.s32 v1, $0x1  }
0x73: {  	v1 =	vsel vm0, $0x0, v2;
	vm0 =	vlt.u32 v0, $0x3E8;
	v2 =	vadd.s32 $0x2, v0  }
0x74: {  	s29 =	sor.u32 $0x410, s23;
	[tilespmem:s26+$0x10000] =	vst v1;
	v1 =	vnsel vm0, $0x1, v2;
	vm0 =	veq.s32 v0, $0x1  }
0x75: {  	v0 =	vld [tilespmem:s29+$0x0];
	v1 =	vsel vm0, $0x0, v1  }
0x76: {  	s31 =	sor.u32 $0x430, s24;
	[tilespmem:s1+$0x10000] =	vst v1  }
0x77: {  	v1 =	vld [tilespmem:s31+$0x0];
	_ =	sdelay $0x2  }
0x78: {  	vm0 =	vlt.u32 v0, $0x3E8;
	v2 =	vadd.s32 $0x2, v0  }
0x79: {  	v2 =	vnsel vm0, $0x1, v2;
	vm0 =	veq.s32 v0, $0x1  }
0x7a: {  	v0 =	vsel vm0, $0x0, v2;
	vm0 =	vlt.u32 v1, $0x3E8;
	v2 =	vadd.s32 $0x2, v1  }
0x7b: {  	s0 =	sor.u32 $0x420, s23;
	[tilespmem:s29+$0x10000] =	vst v0;
	v0 =	vnsel vm0, $0x1, v2;
	vm0 =	veq.s32 v1, $0x1  }
0x7c: {  	v1 =	vld [tilespmem:s0+$0x0];
	v0 =	vsel vm0, $0x0, v0  }
0x7d: {  	s28 =	sor.u32 $0x440, s24;
	[tilespmem:s31+$0x10000] =	vst v0  }
0x7e: {  	v2 =	vld.msk [tilespmem:s28+$0x0], $0xff;
	_ =	sdelay $0x2  }
0x7f: {  	vm0 =	vlt.u32 v1, $0x3E8;
	v3 =	vadd.s32 $0x2, v1  }
0x80: {  	v3 =	vnsel vm0, $0x1, v3;
	vm0 =	veq.s32 v1, $0x1  }
0x81: {  	v1 =	vsel vm0, $0x0, v3;
	vm0 =	vlt.u32 v2, $0x3E8;
	v3 =	vadd.s32 $0x2, v2  }
0x82: {  	[tilespmem:s0+$0x10000] =	vst v1;
	v1 =	vnsel vm0, $0x1, v3;
	vm0 =	veq.s32 v2, $0x1  }
0x83: {  	s1 =	sor.u32 $0x430, s23;
	[tilespmem:s31+$0x10000] =	vst v0;
	v1 =	vsel vm0, $0x0, v1  }
0x84: {  	v0 =	vld [tilespmem:s1+$0x0];
	[tilespmem:s28+$0x10000] =	vst.msk $0xff, v1  }
0x85: {  	v1 =	vld [tilespmem:s20+$0x100]  }
0x86: {  	v2 =	vld [tilespmem:s20+$0x110]  }
0x87: {  	v3 =	vld [tilespmem:s20+$0x120]  }
0x88: {  	v4 =	vld [tilespmem:s20+$0x130]  }
0x89: {  	v5 =	vld [tilespmem:s20+$0x140]  }
0x8a: {  	v7 =	vld [tilespmem:s20+$0x150];
	vm0 =	vlt.u32 v0, $0x3E8;
	v6 =	vadd.s32 $0x2, v0  }
0x8b: {  	v6 =	vnsel vm0, $0x1, v6;
	vm0 =	veq.s32 v0, $0x1  }
0x8c: {  	v6 =	vsel vm0, $0x0, v6  }
0x8d: {  	vm2 =	veq.s32 v1, $0x1;
	vm3 =	veq.s32 v2, $0x1;
	vm4 =	veq.s32 v3, $0x1  }
0x8e: {  	vm5 =	veq.s32 v4, $0x1;
	vm0 =	vlt.u32 v1, $0x3E8;
	v1 =	vadd.s32 $0x2, v1  }
0x8f: {  	v0 =	vld [tilespmem:s20+$0x160];
	vm6 =	veq.s32 v5, $0x1;
	vm1 =	veq.s32 v7, $0x1;
	vm7 =	vlt.u32 v2, $0x3E8  }
0x90: {  	v2 =	vadd.s32 $0x2, v2;
	vm8 =	vlt.u32 v4, $0x3E8;
	v1 =	vnsel vm0, $0x1, v1  }
0x91: {  	v2 =	vnsel vm7, $0x1, v2;
	vm7 =	vlt.u32 v5, $0x3E8;
	v5 =	vadd.s32 $0x2, v5  }
0x92: {  	v1 =	vsel vm2, $0x0, v1;
	vm2 =	vlt.u32 v3, $0x3E8;
	v3 =	vadd.s32 $0x2, v3  }
0x93: {  	v2 =	vsel vm3, $0x0, v2;
	[tilespmem:s20+$0x10100] =	vst v1;
	v1 =	vadd.s32 $0x2, v4;
	v4 =	vld [tilespmem:s20+$0x170];
	v3 =	vnsel vm2, $0x1, v3  }
0x94: {  	[tilespmem:s1+$0x10000] =	vst v6;
	vm2 =	vlt.u32 v7, $0x3E8;
	vm0 =	veq.s32 v0, $0x1;
	v1 =	vnsel vm8, $0x1, v1  }
0x95: {  	[tilespmem:s20+$0x10110] =	vst v2;
	v2 =	vsel vm4, $0x0, v3;
	v3 =	vadd.s32 $0x2, v7;
	vm3 =	vlt.u32 v0, $0x3E8  }
0x96: {  	v0 =	vadd.s32 $0x2, v0;
	v1 =	vsel vm5, $0x0, v1;
	[tilespmem:s20+$0x10120] =	vst v2;
	v2 =	vnsel vm7, $0x1, v5  }
0x97: {  	v0 =	vnsel vm3, $0x1, v0;
	[tilespmem:s20+$0x10130] =	vst v1;
	v1 =	vsel vm6, $0x0, v2;
	v2 =	vnsel vm2, $0x1, v3  }
0x98: {  	[tilespmem:s20+$0x10140] =	vst v1;
	v1 =	vsel vm1, $0x0, v2;
	vm2 =	vlt.u32 v4, $0x3E8;
	v2 =	vadd.s32 $0x2, v4  }
0x99: {  	s26 =	sor.u32 $0x440, s23;
	v0 =	vsel vm0, $0x0, v0;
	[tilespmem:s20+$0x10150] =	vst v1;
	vm0 =	veq.s32 v4, $0x1;
	v1 =	vnsel vm2, $0x1, v2  }
0x9a: {  	s28 =	sadd.s32 $0x100, s21;
	[tilespmem:s20+$0x10160] =	vst v0;
	v2 =	vld.msk [tilespmem:s26+$0x0], $0xff;
	v0 =	vsel vm0, $0x0, v1  }
0x9b: {  	s29 =	sor.u32 $0x400, s28;
	[tilespmem:s20+$0x10170] =	vst v0  }
0x9c: {  	v0 =	vld [tilespmem:s29+$0x0];
	_ =	sdelay $0x2  }
0x9d: {  	vm0 =	vlt.u32 v2, $0x3E8;
	v1 =	vadd.s32 $0x2, v2  }
0x9e: {  	v1 =	vnsel vm0, $0x1, v1;
	vm0 =	veq.s32 v2, $0x1  }
0x9f: {  	[tilespmem:s1+$0x10000] =	vst v6;
	v1 =	vsel vm0, $0x0, v1;
	vm0 =	vlt.u32 v0, $0x3E8;
	v2 =	vadd.s32 $0x2, v0  }
0xa0: {  	[tilespmem:s26+$0x10000] =	vst.msk $0xff, v1;
	v1 =	vnsel vm0, $0x1, v2;
	vm0 =	veq.s32 v0, $0x1  }
0xa1: {  	v1 =	vsel vm0, $0x0, v1  }
0xa2: {  	s31 =	sor.u32 $0x410, s28;
	v0 =	vld [tilespmem:s22+$0x80];
	[tilespmem:s29+$0x10000] =	vst v1  }
0xa3: {  	v4 =	vld [tilespmem:s31+$0x0]  }
0xa4: {  	v3 =	vld [tilespmem:s22+$0x90]  }
0xa5: {  	v5 =	vld [tilespmem:s22+$0xA0]  }
0xa6: {  	v8 =	vld [tilespmem:s22+$0xB0]  }
0xa7: {  	v9 =	vld [tilespmem:s22+$0xC0]  }
0xa8: {  	v2 =	vld [tilespmem:s22+$0xD0];
	vm0 =	vlt.u32 v4, $0x3E8;
	v6 =	vadd.s32 $0x2, v4  }
0xa9: {  	v6 =	vnsel vm0, $0x1, v6;
	vm0 =	veq.s32 v4, $0x1  }
0xaa: {  	v1 =	vld [tilespmem:s22+$0xE0];
	v4 =	vsel vm0, $0x0, v6  }
0xab: {  	s30 =	sor.u32 $0x420, s28;
	vm6 =	veq.s32 v0, $0x1;
	vm5 =	veq.s32 v3, $0x1;
	[tilespmem:s31+$0x10000] =	vst v4  }
0xac: {  	vm4 =	veq.s32 v5, $0x1;
	vm11 =	vlt.u32 v0, $0x3E8;
	v7 =	vadd.s32 $0x2, v0;
	v0 =	vld [tilespmem:s30+$0x0]  }
0xad: {  	vm3 =	veq.s32 v8, $0x1;
	vm2 =	veq.s32 v9, $0x1;
	vm1 =	veq.s32 v2, $0x1  }
0xae: {  	vm10 =	vlt.u32 v3, $0x3E8;
	vm9 =	vlt.u32 v5, $0x3E8;
	v5 =	vadd.s32 $0x2, v5  }
0xaf: {  	p1 =	por p4, p4;
	vm8 =	vlt.u32 v8, $0x3E8;
	vm7 =	vlt.u32 v9, $0x3E8;
	vm0 =	veq.s32 v1, $0x1  }
0xb0: {  	s24 =	simm.s32 $0x4;
	s25 =	simm.s32 $0x400;
	s26 =	simm.s32 $0x800;
	v6 =	vadd.s32 $0x2, v3;
	v3 =	vadd.s32 $0x2, v9;
	v4 =	vadd.s32 $0x2, v8  }
.LBB2_3:
0xb1: {  	s29 =	sand.u32 $0x7800, s26;
	s31 =	sand.u32 $0x200, s25;
	v7 =	vnsel vm11, $0x1, v7;
	vm11 =	vlt.u32 v0, $0x3E8;
	v8 =	vadd.s32 $0x2, v0  }
0xb2: {  	s29 =	sor.u32 s31, s29;
	v7 =	vsel vm6, $0x0, v7;
	v9 =	vld [tilespmem:s22+$0xF0];
	v8 =	vnsel vm11, $0x1, v8;
	vm6 =	veq.s32 v0, $0x1  }
0xb3: {  	v6 =	vnsel vm10, $0x1, v6;
	vm10 =	vlt.u32 v2, $0x3E8;
	v0 =	vld [tilespmem:s29+$0x0];
	[tilespmem:s22+$0x10080] =	vst v7;
	v7 =	vsel vm6, $0x0, v8  }
0xb4: {  	v5 =	vnsel vm9, $0x1, v5;
	v2 =	vadd.s32 $0x2, v2;
	v6 =	vsel vm5, $0x0, v6;
	s31 =	sor.u32 $0x430, s28;
	v8 =	vld [tilespmem:s29+$0x10];
	[tilespmem:s30+$0x10000] =	vst v7  }
0xb5: {  	v4 =	vnsel vm8, $0x1, v4;
	v5 =	vsel vm4, $0x0, v5;
	vm4 =	vlt.u32 v1, $0x3E8;
	[tilespmem:s22+$0x10090] =	vst v6;
	v6 =	vld [tilespmem:s31+$0x0]  }
0xb6: {  	v3 =	vnsel vm7, $0x1, v3;
	v4 =	vsel vm3, $0x0, v4;
	v1 =	vadd.s32 $0x2, v1;
	v7 =	vld [tilespmem:s29+$0x20];
	[tilespmem:s22+$0x100A0] =	vst v5  }
0xb7: {  	v3 =	vsel vm2, $0x0, v3;
	v2 =	vnsel vm10, $0x1, v2;
	v5 =	vld [tilespmem:s29+$0x30];
	[tilespmem:s22+$0x100B0] =	vst v4;
	vm2 =	vlt.u32 v9, $0x3E8  }
0xb8: {  	v2 =	vsel vm1, $0x0, v2;
	v1 =	vnsel vm4, $0x1, v1;
	v4 =	vld [tilespmem:s29+$0x40];
	[tilespmem:s22+$0x100C0] =	vst v3;
	v3 =	vadd.s32 $0x2, v9  }
0xb9: {  	v1 =	vsel vm0, $0x0, v1;
	vm0 =	veq.s32 v9, $0x1;
	v10 =	vld [tilespmem:s29+$0x50];
	[tilespmem:s22+$0x100D0] =	vst v2;
	v2 =	vnsel vm2, $0x1, v3  }
0xba: {  	s30 =	sadd.s32 $0x80, s23;
	v3 =	vld [tilespmem:s29+$0x60];
	[tilespmem:s22+$0x100E0] =	vst v1;
	v1 =	vsel vm0, $0x0, v2;
	vm0 =	vlt.u32 v6, $0x3E8;
	v2 =	vadd.s32 $0x2, v6  }
0xbb: {  	s0 =	sor.u32 $0x400, s30;
	v9 =	vld [tilespmem:s29+$0x70];
	[tilespmem:s22+$0x100F0] =	vst v1;
	v1 =	vnsel vm0, $0x1, v2;
	vm0 =	veq.s32 v6, $0x1  }
0xbc: {  	v2 =	vld [tilespmem:s0+$0x0];
	v1 =	vsel vm0, $0x0, v1  }
0xbd: {  	s1 =	sor.u32 $0x440, s28;
	vm7 =	veq.s32 v0, $0x1;
	[tilespmem:s31+$0x10000] =	vst v1  }
0xbe: {  	vm3 =	veq.s32 v8, $0x1;
	vm4 =	veq.s32 v7, $0x1;
	vm5 =	veq.s32 v5, $0x1;
	v6 =	vld.msk [tilespmem:s1+$0x0], $0xff  }
0xbf: {  	vm6 =	veq.s32 v4, $0x1;
	vm2 =	veq.s32 v10, $0x1;
	vm0 =	veq.s32 v3, $0x1  }
0xc0: {  	vm8 =	vlt.u32 v0, $0x3E8;
	v0 =	vadd.s32 $0x2, v0;
	vm1 =	veq.s32 v9, $0x1  }
0xc1: {  	vm9 =	vlt.u32 v8, $0x3E8;
	vm10 =	vlt.u32 v2, $0x3E8;
	v11 =	vadd.s32 $0x2, v2  }
0xc2: {  	v8 =	vadd.s32 $0x2, v8;
	v11 =	vnsel vm10, $0x1, v11;
	vm10 =	veq.s32 v2, $0x1  }
0xc3: {  	v2 =	vsel vm10, $0x0, v11;
	vm10 =	vlt.u32 v6, $0x3E8;
	v11 =	vadd.s32 $0x2, v6  }
0xc4: {  	vm11 =	vlt.u32 v7, $0x3E8;
	[tilespmem:s0+$0x10000] =	vst v2;
	v2 =	vnsel vm10, $0x1, v11;
	vm10 =	veq.s32 v6, $0x1  }
0xc5: {  	s28 =	sor.u32 $0x410, s30;
	vm12 =	vlt.u32 v5, $0x3E8;
	v6 =	vadd.s32 $0x2, v7;
	v2 =	vsel vm10, $0x0, v2;
	[tilespmem:s31+$0x10000] =	vst v1  }
0xc6: {  	v1 =	vadd.s32 $0x2, v5;
	vm10 =	vlt.u32 v4, $0x3E8;
	v4 =	vadd.s32 $0x2, v4;
	v5 =	vld [tilespmem:s28+$0x0];
	[tilespmem:s1+$0x10000] =	vst.msk $0xff, v2  }
0xc7: {  	vm13 =	vlt.u32 v10, $0x3E8;
	vm14 =	vlt.u32 v3, $0x3E8;
	v2 =	vadd.s32 $0x2, v10;
	v7 =	vld [tilespmem:s20+$0x180]  }
0xc8: {  	v3 =	vadd.s32 $0x2, v3;
	vm15 =	vlt.u32 v9, $0x3E8;
	v9 =	vadd.s32 $0x2, v9;
	v10 =	vld [tilespmem:s20+$0x190]  }
0xc9: {  	v0 =	vnsel vm8, $0x1, v0;
	v8 =	vnsel vm9, $0x1, v8;
	v6 =	vnsel vm11, $0x1, v6;
	v11 =	vld [tilespmem:s20+$0x1A0]  }
0xca: {  	v1 =	vnsel vm12, $0x1, v1;
	v4 =	vnsel vm10, $0x1, v4;
	v2 =	vnsel vm13, $0x1, v2;
	v12 =	vld [tilespmem:s20+$0x1B0]  }
0xcb: {  	v0 =	vsel vm7, $0x0, v0;
	v3 =	vnsel vm14, $0x1, v3;
	v9 =	vnsel vm15, $0x1, v9;
	v13 =	vld [tilespmem:s20+$0x1C0]  }
0xcc: {  	v8 =	vsel vm3, $0x0, v8;
	v6 =	vsel vm4, $0x0, v6;
	v1 =	vsel vm5, $0x0, v1;
	v14 =	vld [tilespmem:s20+$0x1D0]  }
0xcd: {  	v4 =	vsel vm6, $0x0, v4;
	vm3 =	vlt.u32 v5, $0x3E8;
	v15 =	vadd.s32 $0x2, v5;
	v16 =	vld [tilespmem:s20+$0x1E0]  }
0xce: {  	[tilespmem:s29+$0x10000] =	vst v0;
	v0 =	vsel vm2, $0x0, v2;
	v2 =	vnsel vm3, $0x1, v15;
	vm2 =	veq.s32 v5, $0x1  }
0xcf: {  	v3 =	vsel vm0, $0x0, v3;
	v5 =	vsel vm1, $0x0, v9;
	[tilespmem:s29+$0x10010] =	vst v8;
	v2 =	vsel vm2, $0x0, v2  }
0xd0: {  	vm6 =	veq.s32 v7, $0x1;
	vm5 =	veq.s32 v10, $0x1;
	vm4 =	veq.s32 v11, $0x1;
	[tilespmem:s29+$0x10020] =	vst v6  }
0xd1: {  	vm3 =	veq.s32 v12, $0x1;
	vm2 =	veq.s32 v13, $0x1;
	[tilespmem:s29+$0x10030] =	vst v1;
	vm0 =	veq.s32 v14, $0x1  }
0xd2: {  	vm7 =	vlt.u32 v7, $0x3E8;
	v1 =	vadd.s32 $0x2, v7;
	[tilespmem:s29+$0x10040] =	vst v4;
	vm1 =	veq.s32 v16, $0x1  }
0xd3: {  	p3 =	por !p3, !p3;
	s0 =	simm.s32 $0x1;
	vm8 =	vlt.u32 v10, $0x3E8;
	vm9 =	vlt.u32 v11, $0x3E8;
	[tilespmem:s29+$0x10050] =	vst v0;
	v0 =	vadd.s32 $0x2, v10  }
0xd4: {  	s0 =	simm.s32 @!p3 $0x0;
	vm10 =	vlt.u32 v12, $0x3E8;
	v4 =	vadd.s32 $0x2, v12;
	[tilespmem:s29+$0x10060] =	vst v3;
	v3 =	vadd.s32 $0x2, v11  }
0xd5: {  	s0 =	sshll.u32 s0, $0x9;
	v1 =	vnsel vm7, $0x1, v1;
	vm7 =	vlt.u32 v13, $0x3E8;
	[tilespmem:s29+$0x10070] =	vst v5;
	v5 =	vadd.s32 $0x2, v13;
	v6 =	vld [tilespmem:s20+$0x1F0]  }
0xd6: {  	s0 =	sadd.s32 s0, s26;
	v1 =	vsel vm6, $0x0, v1;
	vm6 =	vlt.u32 v14, $0x3E8;
	v0 =	vnsel vm8, $0x1, v0;
	[tilespmem:s28+$0x10000] =	vst v2  }
0xd7: {  	s1 =	sor.u32 $0x400, s0;
	v0 =	vsel vm5, $0x0, v0;
	v2 =	vadd.s32 $0x2, v14;
	[tilespmem:s20+$0x10180] =	vst v1;
	v1 =	vnsel vm9, $0x1, v3  }
0xd8: {  	v3 =	vld [tilespmem:s1+$0x0];
	[tilespmem:s20+$0x10190] =	vst v0;
	v0 =	vsel vm4, $0x0, v1;
	v1 =	vnsel vm10, $0x1, v4;
	vm4 =	vlt.u32 v16, $0x3E8  }
0xd9: {  	s31 =	sor.u32 $0x420, s30;
	v4 =	vadd.s32 $0x2, v16;
	[tilespmem:s20+$0x101A0] =	vst v0;
	v0 =	vsel vm3, $0x0, v1;
	v1 =	vnsel vm7, $0x1, v5  }
0xda: {  	v5 =	vld [tilespmem:s31+$0x0];
	[tilespmem:s20+$0x101B0] =	vst v0;
	v0 =	vsel vm2, $0x0, v1;
	v1 =	vnsel vm6, $0x1, v2;
	vm2 =	vlt.u32 v6, $0x3E8  }
0xdb: {  	v2 =	vadd.s32 $0x2, v6;
	[tilespmem:s20+$0x101C0] =	vst v0;
	v0 =	vsel vm0, $0x0, v1;
	v1 =	vnsel vm4, $0x1, v4  }
0xdc: {  	vm0 =	veq.s32 v6, $0x1;
	[tilespmem:s20+$0x101D0] =	vst v0;
	v0 =	vsel vm1, $0x0, v1;
	v1 =	vnsel vm2, $0x1, v2  }
0xdd: {  	s28 =	sadd.s32 $0x180, s21;
	s21 =	smov.u32 s23;
	s23 =	smov.u32 s0;
	vm1 =	vlt.u32 v3, $0x3E8;
	v2 =	vadd.s32 $0x2, v3;
	[tilespmem:s20+$0x101E0] =	vst v0;
	v0 =	vsel vm0, $0x0, v1  }
0xde: {  	s0 =	sor.u32 $0x400, s28;
	vm0 =	veq.s32 v3, $0x1;
	v1 =	vnsel vm1, $0x1, v2;
	[tilespmem:s20+$0x101F0] =	vst v0;
	s20 =	smov.u32 s22;
	s22 =	smov.u32 s29  }
0xdf: {  	v0 =	vsel vm0, $0x0, v1;
	vm0 =	vlt.u32 v5, $0x3E8;
	v1 =	vadd.s32 $0x2, v5;
	v2 =	vld [tilespmem:s0+$0x0]  }
0xe0: {  	[tilespmem:s1+$0x10000] =	vst v0;
	s1 =	sor.u32 $0x410, s23;
	v0 =	vnsel vm0, $0x1, v1;
	vm0 =	veq.s32 v5, $0x1  }
0xe1: {  	v1 =	vld [tilespmem:s1+$0x0];
	v0 =	vsel vm0, $0x0, v0  }
0xe2: {  	[tilespmem:s31+$0x10000] =	vst v0;
	s31 =	sor.u32 $0x430, s30  }
0xe3: {  	v0 =	vld [tilespmem:s31+$0x0]  }
0xe4: {  	vm0 =	vlt.u32 v2, $0x3E8;
	v3 =	vadd.s32 $0x2, v2  }
0xe5: {  	v3 =	vnsel vm0, $0x1, v3;
	vm0 =	veq.s32 v2, $0x1  }
0xe6: {  	vm1 =	vlt.u32 v1, $0x3E8;
	v2 =	vadd.s32 $0x2, v1;
	v3 =	vsel vm0, $0x0, v3  }
0xe7: {  	vm0 =	veq.s32 v1, $0x1;
	v2 =	vnsel vm1, $0x1, v2;
	[tilespmem:s0+$0x10000] =	vst v3;
	s0 =	sor.u32 $0x410, s28  }
0xe8: {  	v1 =	vsel vm0, $0x0, v2;
	vm0 =	vlt.u32 v0, $0x3E8;
	v2 =	vadd.s32 $0x2, v0;
	v3 =	vld [tilespmem:s0+$0x0]  }
0xe9: {  	[tilespmem:s1+$0x10000] =	vst v1;
	s1 =	sor.u32 $0x420, s23;
	v1 =	vnsel vm0, $0x1, v2;
	vm0 =	veq.s32 v0, $0x1  }
0xea: {  	v0 =	vld [tilespmem:s1+$0x0];
	v1 =	vsel vm0, $0x0, v1  }
0xeb: {  	s30 =	sor.u32 $0x440, s30;
	[tilespmem:s31+$0x10000] =	vst v1  }
0xec: {  	v2 =	vld.msk [tilespmem:s30+$0x0], $0xff  }
0xed: {  	vm0 =	vlt.u32 v3, $0x3E8;
	v4 =	vadd.s32 $0x2, v3  }
0xee: {  	v4 =	vnsel vm0, $0x1, v4;
	vm0 =	veq.s32 v3, $0x1  }
0xef: {  	vm1 =	vlt.u32 v0, $0x3E8;
	v3 =	vadd.s32 $0x2, v0;
	v4 =	vsel vm0, $0x0, v4  }
0xf0: {  	vm0 =	veq.s32 v0, $0x1;
	v3 =	vnsel vm1, $0x1, v3;
	[tilespmem:s0+$0x10000] =	vst v4;
	s0 =	sor.u32 $0x420, s28  }
0xf1: {  	v0 =	vsel vm0, $0x0, v3;
	vm0 =	vlt.u32 v2, $0x3E8;
	v3 =	vadd.s32 $0x2, v2;
	v4 =	vld [tilespmem:s0+$0x0]  }
0xf2: {  	[tilespmem:s1+$0x10000] =	vst v0;
	v0 =	vnsel vm0, $0x1, v3;
	vm0 =	veq.s32 v2, $0x1  }
0xf3: {  	s29 =	sor.u32 $0x430, s23;
	v0 =	vsel vm0, $0x0, v0;
	[tilespmem:s31+$0x10000] =	vst v1  }
0xf4: {  	v1 =	vld [tilespmem:s29+$0x0];
	[tilespmem:s30+$0x10000] =	vst.msk $0xff, v0  }
0xf5: {  	v0 =	vld [tilespmem:s20+$0x100]  }
0xf6: {  	v2 =	vld [tilespmem:s20+$0x110];
	vm0 =	vlt.u32 v4, $0x3E8;
	v3 =	vadd.s32 $0x2, v4  }
0xf7: {  	v5 =	vld [tilespmem:s20+$0x120];
	v3 =	vnsel vm0, $0x1, v3;
	vm0 =	veq.s32 v4, $0x1  }
0xf8: {  	v4 =	vld [tilespmem:s20+$0x130];
	v3 =	vsel vm0, $0x0, v3  }
0xf9: {  	s30 =	sor.u32 $0x430, s28;
	v6 =	vld [tilespmem:s20+$0x140];
	[tilespmem:s0+$0x10000] =	vst v3  }
0xfa: {  	v3 =	vld [tilespmem:s30+$0x0]  }
0xfb: {  	vm0 =	vlt.u32 v1, $0x3E8;
	v7 =	vadd.s32 $0x2, v1;
	v8 =	vld [tilespmem:s20+$0x150]  }
0xfc: {  	v7 =	vnsel vm0, $0x1, v7;
	vm0 =	veq.s32 v1, $0x1;
	v1 =	vld [tilespmem:s20+$0x160]  }
0xfd: {  	vm6 =	veq.s32 v0, $0x1;
	v7 =	vsel vm0, $0x0, v7  }
0xfe: {  	vm5 =	veq.s32 v2, $0x1;
	vm4 =	veq.s32 v5, $0x1;
	vm3 =	veq.s32 v4, $0x1  }
0xff: {  	vm2 =	veq.s32 v6, $0x1;
	vm0 =	vlt.u32 v3, $0x3E8;
	v9 =	vadd.s32 $0x2, v3  }
0x100: {  	vm7 =	veq.s32 v3, $0x1;
	vm1 =	veq.s32 v8, $0x1;
	v9 =	vnsel vm0, $0x1, v9  }
0x101: {  	vm8 =	vlt.u32 v0, $0x3E8;
	vm0 =	veq.s32 v1, $0x1;
	v3 =	vsel vm7, $0x0, v9  }
0x102: {  	s0 =	sor.u32 $0x440, s28;
	v0 =	vadd.s32 $0x2, v0;
	vm7 =	vlt.u32 v2, $0x3E8;
	v2 =	vadd.s32 $0x2, v2;
	[tilespmem:s30+$0x10000] =	vst v3  }
0x103: {  	vm9 =	vlt.u32 v5, $0x3E8;
	v5 =	vadd.s32 $0x2, v5;
	vm10 =	vlt.u32 v4, $0x3E8;
	v9 =	vld.msk [tilespmem:s0+$0x0], $0xff  }
0x104: {  	v0 =	vnsel vm8, $0x1, v0;
	v4 =	vadd.s32 $0x2, v4;
	vm8 =	vlt.u32 v6, $0x3E8  }
0x105: {  	v0 =	vsel vm6, $0x0, v0;
	v6 =	vadd.s32 $0x2, v6;
	v2 =	vnsel vm7, $0x1, v2;
	[tilespmem:s29+$0x10000] =	vst v7  }
0x106: {  	[tilespmem:s20+$0x10100] =	vst v0;
	v0 =	vsel vm5, $0x0, v2;
	v2 =	vnsel vm9, $0x1, v5;
	vm5 =	vlt.u32 v8, $0x3E8;
	v5 =	vld [tilespmem:s20+$0x170]  }
0x107: {  	[tilespmem:s20+$0x10110] =	vst v0;
	v0 =	vsel vm4, $0x0, v2;
	v2 =	vnsel vm10, $0x1, v4;
	v4 =	vadd.s32 $0x2, v8  }
0x108: {  	[tilespmem:s20+$0x10120] =	vst v0;
	v0 =	vsel vm3, $0x0, v2;
	vm3 =	vlt.u32 v9, $0x3E8;
	v2 =	vadd.s32 $0x2, v9  }
0x109: {  	vm4 =	vlt.u32 v1, $0x3E8;
	[tilespmem:s20+$0x10130] =	vst v0;
	v0 =	vnsel vm3, $0x1, v2;
	vm3 =	veq.s32 v9, $0x1  }
0x10a: {  	v1 =	vadd.s32 $0x2, v1;
	v2 =	vnsel vm8, $0x1, v6;
	v0 =	vsel vm3, $0x0, v0;
	[tilespmem:s30+$0x10000] =	vst v3  }
0x10b: {  	v2 =	vsel vm2, $0x0, v2;
	v3 =	vnsel vm5, $0x1, v4;
	vm2 =	vlt.u32 v5, $0x3E8;
	[tilespmem:s0+$0x10000] =	vst.msk $0xff, v0  }
0x10c: {  	v1 =	vnsel vm4, $0x1, v1;
	v0 =	vsel vm1, $0x0, v3;
	[tilespmem:s20+$0x10140] =	vst v2;
	v2 =	vadd.s32 $0x2, v5  }
0x10d: {  	s0 =	sor.u32 $0x440, s23;
	[tilespmem:s20+$0x10150] =	vst v0;
	v0 =	vsel vm0, $0x0, v1;
	v1 =	vnsel vm2, $0x1, v2;
	vm0 =	veq.s32 v5, $0x1  }
0x10e: {  	s28 =	sadd.s32 $0x100, s21;
	v2 =	vld.msk [tilespmem:s0+$0x0], $0xff;
	[tilespmem:s20+$0x10160] =	vst v0;
	v0 =	vsel vm0, $0x0, v1  }
0x10f: {  	s1 =	sor.u32 $0x400, s28;
	[tilespmem:s20+$0x10170] =	vst v0  }
0x110: {  	v0 =	vld [tilespmem:s1+$0x0];
	_ =	sdelay $0x2  }
0x111: {  	vm0 =	vlt.u32 v2, $0x3E8;
	v1 =	vadd.s32 $0x2, v2  }
0x112: {  	v1 =	vnsel vm0, $0x1, v1;
	vm0 =	veq.s32 v2, $0x1  }
0x113: {  	v1 =	vsel vm0, $0x0, v1;
	[tilespmem:s29+$0x10000] =	vst v7;
	vm0 =	vlt.u32 v0, $0x3E8;
	v2 =	vadd.s32 $0x2, v0  }
0x114: {  	[tilespmem:s0+$0x10000] =	vst.msk $0xff, v1;
	v1 =	vnsel vm0, $0x1, v2;
	vm0 =	veq.s32 v0, $0x1  }
0x115: {  	v3 =	vld [tilespmem:s22+$0x80];
	v0 =	vsel vm0, $0x0, v1  }
0x116: {  	s0 =	sor.u32 $0x410, s28;
	v4 =	vld [tilespmem:s22+$0x90];
	[tilespmem:s1+$0x10000] =	vst v0  }
0x117: {  	v0 =	vld [tilespmem:s0+$0x0]  }
0x118: {  	v5 =	vld [tilespmem:s22+$0xA0]  }
0x119: {  	v8 =	vld [tilespmem:s22+$0xB0]  }
0x11a: {  	v9 =	vld [tilespmem:s22+$0xC0]  }
0x11b: {  	v2 =	vld [tilespmem:s22+$0xD0]  }
0x11c: {  	s24 =	sadd.s32 $0x4, s24;
	v1 =	vld [tilespmem:s22+$0xE0];
	vm0 =	vlt.u32 v0, $0x3E8;
	v6 =	vadd.s32 $0x2, v0  }
0x11d: {  	p4 =	slt.u32 s24, $0x7C;
	v6 =	vnsel vm0, $0x1, v6;
	vm0 =	veq.s32 v0, $0x1  }
0x11e: {  	v0 =	vsel vm0, $0x0, v6  }
0x11f: {  	s30 =	sor.u32 $0x420, s28;
	vm6 =	veq.s32 v3, $0x1;
	vm5 =	veq.s32 v4, $0x1;
	[tilespmem:s0+$0x10000] =	vst v0  }
.Ltmp0:
0x120: {  	vm4 =	veq.s32 v5, $0x1;
	vm3 =	veq.s32 v8, $0x1;
	vm2 =	veq.s32 v9, $0x1;
	v0 =	vld [tilespmem:s30+$0x0];
	(pc) =	sbr.rel @p4 .LBB2_3-.Ltmp0, $4  }
0x121: {  	vm11 =	vlt.u32 v3, $0x3E8;
	vm1 =	veq.s32 v2, $0x1;
	vm0 =	veq.s32 v1, $0x1  }
0x122: {  	v7 =	vadd.s32 $0x2, v3;
	vm10 =	vlt.u32 v4, $0x3E8;
	v6 =	vadd.s32 $0x2, v4  }
0x123: {  	vm9 =	vlt.u32 v5, $0x3E8;
	v5 =	vadd.s32 $0x2, v5;
	vm8 =	vlt.u32 v8, $0x3E8  }
0x124: {  	s25 =	sadd.s32 $0x200, s25;
	s26 =	sadd.s32 $0x400, s26;
	v4 =	vadd.s32 $0x2, v8;
	vm7 =	vlt.u32 v9, $0x3E8;
	v3 =	vadd.s32 $0x2, v9  }
0x125: {  	v7 =	vnsel vm11, $0x1, v7  }
0x126: {  	v8 =	vld [tilespmem:s22+$0xF0];
	v6 =	vnsel vm10, $0x1, v6;
	v5 =	vnsel vm9, $0x1, v5;
	v7 =	vsel vm6, $0x0, v7  }
0x127: {  	v4 =	vnsel vm8, $0x1, v4;
	v3 =	vnsel vm7, $0x1, v3;
	v6 =	vsel vm5, $0x0, v6;
	[tilespmem:s22+$0x10080] =	vst v7  }
0x128: {  	vm6 =	vlt.u32 v2, $0x3E8;
	v2 =	vadd.s32 $0x2, v2;
	v5 =	vsel vm4, $0x0, v5;
	[tilespmem:s22+$0x10090] =	vst v6  }
0x129: {  	vm4 =	vlt.u32 v1, $0x3E8;
	v4 =	vsel vm3, $0x0, v4;
	v1 =	vadd.s32 $0x2, v1;
	[tilespmem:s22+$0x100A0] =	vst v5  }
0x12a: {  	v3 =	vsel vm2, $0x0, v3;
	[tilespmem:s22+$0x100B0] =	vst v4;
	v2 =	vnsel vm6, $0x1, v2;
	v1 =	vnsel vm4, $0x1, v1  }
0x12b: {  	[tilespmem:s22+$0x100C0] =	vst v3;
	v2 =	vsel vm1, $0x0, v2;
	vm2 =	vlt.u32 v8, $0x3E8;
	v3 =	vadd.s32 $0x2, v8  }
0x12c: {  	v1 =	vsel vm0, $0x0, v1;
	[tilespmem:s22+$0x100D0] =	vst v2;
	vm0 =	veq.s32 v8, $0x1;
	v2 =	vnsel vm2, $0x1, v3  }
0x12d: {  	s0 =	sadd.s32 $0x80, s23;
	[tilespmem:s22+$0x100E0] =	vst v1;
	v1 =	vsel vm0, $0x0, v2  }
0x12e: {  	s1 =	sor.u32 $0x400, s0;
	[tilespmem:s22+$0x100F0] =	vst v1  }
0x12f: {  	v1 =	vld [tilespmem:s1+$0x0];
	_ =	sdelay $0x4  }
0x130: {  	vm0 =	vlt.u32 v1, $0x3E8;
	v2 =	vadd.s32 $0x2, v1  }
0x131: {  	v2 =	vnsel vm0, $0x1, v2;
	vm0 =	veq.s32 v1, $0x1  }
0x132: {  	v1 =	vsel vm0, $0x0, v2  }
0x133: {  	s26 =	sor.u32 $0x410, s0;
	[tilespmem:s1+$0x10000] =	vst v1  }
0x134: {  	v1 =	vld [tilespmem:s26+$0x0];
	_ =	sdelay $0x4  }
0x135: {  	vm0 =	vlt.u32 v1, $0x3E8;
	v2 =	vadd.s32 $0x2, v1  }
0x136: {  	v2 =	vnsel vm0, $0x1, v2;
	vm0 =	veq.s32 v1, $0x1  }
0x137: {  	v1 =	vsel vm0, $0x0, v2  }
0x138: {  	s29 =	sor.u32 $0x420, s0;
	[tilespmem:s26+$0x10000] =	vst v1  }
0x139: {  	v1 =	vld [tilespmem:s29+$0x0];
	_ =	sdelay $0x4  }
0x13a: {  	vm0 =	vlt.u32 v1, $0x3E8;
	v2 =	vadd.s32 $0x2, v1  }
0x13b: {  	v2 =	vnsel vm0, $0x1, v2;
	vm0 =	veq.s32 v1, $0x1  }
0x13c: {  	v1 =	vsel vm0, $0x0, v2  }
0x13d: {  	s31 =	sor.u32 $0x430, s0;
	[tilespmem:s29+$0x10000] =	vst v1  }
0x13e: {  	v1 =	vld [tilespmem:s31+$0x0];
	_ =	sdelay $0x4  }
0x13f: {  	vm0 =	vlt.u32 v1, $0x3E8;
	v2 =	vadd.s32 $0x2, v1  }
0x140: {  	v2 =	vnsel vm0, $0x1, v2;
	vm0 =	veq.s32 v1, $0x1  }
0x141: {  	v1 =	vsel vm0, $0x0, v2  }
0x142: {  	s0 =	sor.u32 $0x440, s0;
	[tilespmem:s31+$0x10000] =	vst v1  }
0x143: {  	v2 =	vld.msk [tilespmem:s0+$0x0], $0xff;
	_ =	sdelay $0x4  }
0x144: {  	vm0 =	vlt.u32 v2, $0x3E8;
	v3 =	vadd.s32 $0x2, v2  }
0x145: {  	v3 =	vnsel vm0, $0x1, v3;
	vm0 =	veq.s32 v2, $0x1  }
0x146: {  	[tilespmem:s31+$0x10000] =	vst v1;
	v2 =	vsel vm0, $0x0, v3  }
0x147: {  	[tilespmem:s0+$0x10000] =	vst.msk $0xff, v2  }
0x148: {  	v1 =	vld [tilespmem:s22+$0x100]  }
0x149: {  	v2 =	vld [tilespmem:s22+$0x110]  }
0x14a: {  	v3 =	vld [tilespmem:s22+$0x120]  }
0x14b: {  	v4 =	vld [tilespmem:s22+$0x130]  }
0x14c: {  	v5 =	vld [tilespmem:s22+$0x140]  }
0x14d: {  	v6 =	vld [tilespmem:s22+$0x150];
	_ =	sdelay $0x2  }
0x14e: {  	vm1 =	veq.s32 v1, $0x1;
	vm2 =	veq.s32 v2, $0x1;
	vm3 =	veq.s32 v3, $0x1  }
0x14f: {  	vm4 =	veq.s32 v4, $0x1;
	vm0 =	vlt.u32 v1, $0x3E8;
	v1 =	vadd.s32 $0x2, v1  }
0x150: {  	vm5 =	veq.s32 v5, $0x1;
	vm6 =	veq.s32 v6, $0x1;
	vm7 =	vlt.u32 v2, $0x3E8  }
0x151: {  	v2 =	vadd.s32 $0x2, v2;
	vm8 =	vlt.u32 v4, $0x3E8;
	v1 =	vnsel vm0, $0x1, v1  }
0x152: {  	v7 =	vld [tilespmem:s22+$0x160];
	v2 =	vnsel vm7, $0x1, v2;
	vm7 =	vlt.u32 v5, $0x3E8;
	v5 =	vadd.s32 $0x2, v5  }
0x153: {  	v1 =	vsel vm1, $0x0, v1;
	vm1 =	vlt.u32 v3, $0x3E8;
	v3 =	vadd.s32 $0x2, v3  }
0x154: {  	v2 =	vsel vm2, $0x0, v2;
	[tilespmem:s22+$0x10100] =	vst v1;
	v1 =	vadd.s32 $0x2, v4;
	v4 =	vld [tilespmem:s22+$0x170];
	v3 =	vnsel vm1, $0x1, v3  }
0x155: {  	vm1 =	vlt.u32 v6, $0x3E8;
	[tilespmem:s22+$0x10110] =	vst v2;
	v1 =	vnsel vm8, $0x1, v1;
	v2 =	vsel vm3, $0x0, v3  }
0x156: {  	v3 =	vadd.s32 $0x2, v6;
	v1 =	vsel vm4, $0x0, v1;
	[tilespmem:s22+$0x10120] =	vst v2;
	v2 =	vnsel vm7, $0x1, v5  }
0x157: {  	vm0 =	veq.s32 v7, $0x1;
	[tilespmem:s22+$0x10130] =	vst v1;
	v1 =	vsel vm5, $0x0, v2;
	v2 =	vnsel vm1, $0x1, v3  }
0x158: {  	vm2 =	vlt.u32 v7, $0x3E8;
	v5 =	vadd.s32 $0x2, v7;
	[tilespmem:s22+$0x10140] =	vst v1;
	v1 =	vsel vm6, $0x0, v2  }
0x159: {  	v2 =	vnsel vm2, $0x1, v5;
	vm1 =	vlt.u32 v4, $0x3E8;
	v3 =	vadd.s32 $0x2, v4  }
0x15a: {  	[tilespmem:s22+$0x10150] =	vst v1;
	v1 =	vsel vm0, $0x0, v2;
	vm0 =	veq.s32 v4, $0x1;
	v2 =	vnsel vm1, $0x1, v3  }
0x15b: {  	s24 =	sadd.s32 $0x100, s23;
	[tilespmem:s22+$0x10160] =	vst v1;
	v1 =	vsel vm0, $0x0, v2  }
0x15c: {  	s1 =	sor.u32 $0x400, s24;
	[tilespmem:s22+$0x10170] =	vst v1  }
0x15d: {  	v1 =	vld [tilespmem:s1+$0x0];
	_ =	sdelay $0x4  }
0x15e: {  	vm0 =	vlt.u32 v1, $0x3E8;
	v2 =	vadd.s32 $0x2, v1  }
0x15f: {  	v2 =	vnsel vm0, $0x1, v2;
	vm0 =	veq.s32 v1, $0x1  }
0x160: {  	v1 =	vsel vm0, $0x0, v2  }
0x161: {  	s25 =	sor.u32 $0x410, s24;
	vm0 =	vlt.u32 v0, $0x3E8;
	v2 =	vadd.s32 $0x2, v0;
	[tilespmem:s1+$0x10000] =	vst v1  }
0x162: {  	v1 =	vnsel vm0, $0x1, v2;
	vm0 =	veq.s32 v0, $0x1;
	v0 =	vld [tilespmem:s25+$0x0]  }
0x163: {  	v1 =	vsel vm0, $0x0, v1  }
0x164: {  	s26 =	sor.u32 $0x430, s28;
	[tilespmem:s30+$0x10000] =	vst v1  }
0x165: {  	v1 =	vld [tilespmem:s26+$0x0];
	_ =	sdelay $0x1  }
0x166: {  	vm0 =	vlt.u32 v0, $0x3E8;
	v2 =	vadd.s32 $0x2, v0  }
0x167: {  	v2 =	vnsel vm0, $0x1, v2;
	vm0 =	veq.s32 v0, $0x1  }
0x168: {  	v0 =	vsel vm0, $0x0, v2  }
0x169: {  	s29 =	sor.u32 $0x420, s24;
	vm0 =	vlt.u32 v1, $0x3E8;
	v2 =	vadd.s32 $0x2, v1;
	[tilespmem:s25+$0x10000] =	vst v0  }
0x16a: {  	v0 =	vnsel vm0, $0x1, v2;
	vm0 =	veq.s32 v1, $0x1;
	v1 =	vld [tilespmem:s29+$0x0]  }
0x16b: {  	v0 =	vsel vm0, $0x0, v0  }
0x16c: {  	s25 =	sor.u32 $0x440, s28;
	[tilespmem:s26+$0x10000] =	vst v0  }
0x16d: {  	v2 =	vld.msk [tilespmem:s25+$0x0], $0xff;
	_ =	sdelay $0x1  }
0x16e: {  	vm0 =	vlt.u32 v1, $0x3E8;
	v3 =	vadd.s32 $0x2, v1  }
0x16f: {  	v3 =	vnsel vm0, $0x1, v3;
	vm0 =	veq.s32 v1, $0x1  }
0x170: {  	v1 =	vsel vm0, $0x0, v3  }
0x171: {  	s30 =	sor.u32 $0x430, s24;
	vm0 =	vlt.u32 v2, $0x3E8;
	v3 =	vadd.s32 $0x2, v2;
	[tilespmem:s29+$0x10000] =	vst v1  }
0x172: {  	v1 =	vnsel vm0, $0x1, v3;
	vm0 =	veq.s32 v2, $0x1;
	v2 =	vld [tilespmem:s30+$0x0];
	_ =	sdelay $0x1  }
0x173: {  	[tilespmem:s26+$0x10000] =	vst v0;
	v1 =	vsel vm0, $0x0, v1  }
0x174: {  	[tilespmem:s25+$0x10000] =	vst.msk $0xff, v1  }
0x175: {  	v0 =	vld [tilespmem:s20+$0x180]  }
0x176: {  	v1 =	vld [tilespmem:s20+$0x190];
	vm0 =	vlt.u32 v2, $0x3E8;
	v4 =	vadd.s32 $0x2, v2  }
0x177: {  	v3 =	vld [tilespmem:s20+$0x1A0];
	v4 =	vnsel vm0, $0x1, v4;
	vm0 =	veq.s32 v2, $0x1  }
0x178: {  	v5 =	vld [tilespmem:s20+$0x1B0];
	v4 =	vsel vm0, $0x0, v4  }
0x179: {  	s31 =	sor.u32 $0x440, s24;
	v6 =	vld [tilespmem:s20+$0x1D0];
	[tilespmem:s30+$0x10000] =	vst v4  }
0x17a: {  	v7 =	vld.msk [tilespmem:s31+$0x0], $0xff;
	_ =	sdelay $0x2  }
0x17b: {  	vm5 =	veq.s32 v0, $0x1;
	vm6 =	veq.s32 v1, $0x1;
	vm4 =	veq.s32 v3, $0x1  }
0x17c: {  	vm3 =	veq.s32 v5, $0x1;
	vm0 =	veq.s32 v6, $0x1;
	vm7 =	vlt.u32 v0, $0x3E8  }
0x17d: {  	v2 =	vld [tilespmem:s20+$0x1C0];
	v0 =	vadd.s32 $0x2, v0;
	vm1 =	vlt.u32 v7, $0x3E8;
	v9 =	vadd.s32 $0x2, v7  }
0x17e: {  	vm9 =	vlt.u32 v1, $0x3E8;
	vm8 =	veq.s32 v7, $0x1;
	v9 =	vnsel vm1, $0x1, v9  }
0x17f: {  	v1 =	vadd.s32 $0x2, v1;
	vm10 =	vlt.u32 v5, $0x3E8;
	[tilespmem:s30+$0x10000] =	vst v4;
	v4 =	vld [tilespmem:s20+$0x1F0];
	v7 =	vsel vm8, $0x0, v9  }
0x180: {  	v8 =	vld [tilespmem:s20+$0x1E0];
	v5 =	vadd.s32 $0x2, v5;
	v0 =	vnsel vm7, $0x1, v0;
	v1 =	vnsel vm9, $0x1, v1;
	[tilespmem:s31+$0x10000] =	vst.msk $0xff, v7  }
0x181: {  	v5 =	vnsel vm10, $0x1, v5;
	v0 =	vsel vm5, $0x0, v0;
	vm5 =	vlt.u32 v6, $0x3E8;
	v7 =	vld [tilespmem:s22+$0x180]  }
0x182: {  	vm2 =	veq.s32 v2, $0x1;
	vm7 =	vlt.u32 v2, $0x3E8;
	v2 =	vadd.s32 $0x2, v2;
	v61 =	vld [tilespmem:s22+$0x190]  }
0x183: {  	v1 =	vsel vm6, $0x0, v1;
	v6 =	vadd.s32 $0x2, v6;
	v2 =	vnsel vm7, $0x1, v2;
	v10 =	vld [tilespmem:s22+$0x1A0]  }
0x184: {  	v5 =	vsel vm3, $0x0, v5;
	v2 =	vsel vm2, $0x0, v2;
	vm2 =	vlt.u32 v4, $0x3E8;
	v11 =	vld [tilespmem:s22+$0x1B0]  }
0x185: {  	v14 =	vadd.s32 $0x2, v4;
	vm8 =	vlt.u32 v3, $0x3E8;
	v3 =	vadd.s32 $0x2, v3;
	v12 =	vld [tilespmem:s22+$0x1C0]  }
0x186: {  	vm3 =	veq.s32 v4, $0x1;
	vm1 =	veq.s32 v8, $0x1;
	v3 =	vnsel vm8, $0x1, v3;
	v13 =	vld [tilespmem:s22+$0x1D0]  }
0x187: {  	v3 =	vsel vm4, $0x0, v3;
	vm4 =	vlt.u32 v8, $0x3E8;
	v8 =	vadd.s32 $0x2, v8;
	v4 =	vld [tilespmem:s22+$0x1E0]  }
0x188: {  	v6 =	vnsel vm5, $0x1, v6;
	v14 =	vnsel vm2, $0x1, v14;
	v8 =	vnsel vm4, $0x1, v8  }
0x189: {  	[tilespmem:s20+$0x10180] =	vst v0;
	v0 =	vsel vm0, $0x0, v6;
	v6 =	vsel vm1, $0x0, v8;
	v8 =	vsel vm3, $0x0, v14  }
0x18a: {  	[tilespmem:s20+$0x10190] =	vst v1;
	vm4 =	veq.s32 v7, $0x1;
	vm5 =	veq.s32 v61, $0x1;
	vm6 =	veq.s32 v10, $0x1  }
0x18b: {  	[tilespmem:s20+$0x101B0] =	vst v5;
	vm3 =	veq.s32 v11, $0x1;
	vm2 =	veq.s32 v12, $0x1;
	vm1 =	veq.s32 v13, $0x1  }
0x18c: {  	[tilespmem:s20+$0x101D0] =	vst v0;
	vm7 =	vlt.u32 v7, $0x3E8;
	v1 =	vadd.s32 $0x2, v7;
	vm0 =	veq.s32 v4, $0x1  }
0x18d: {  	[tilespmem:s20+$0x101C0] =	vst v2;
	vm8 =	vlt.u32 v61, $0x3E8;
	v2 =	vadd.s32 $0x2, v61;
	vm9 =	vlt.u32 v10, $0x3E8  }
0x18e: {  	[tilespmem:s20+$0x101A0] =	vst v3;
	v0 =	vadd.s32 $0x2, v10;
	vm10 =	vlt.u32 v11, $0x3E8;
	v3 =	vadd.s32 $0x2, v11  }
0x18f: {  	[tilespmem:s20+$0x101E0] =	vst v6;
	v6 =	vld [tilespmem:s22+$0x1F0];
	v5 =	vadd.s32 $0x2, v12;
	v1 =	vnsel vm7, $0x1, v1;
	vm7 =	vlt.u32 v12, $0x3E8  }
0x190: {  	[tilespmem:s20+$0x101F0] =	vst v8;
	v2 =	vnsel vm8, $0x1, v2;
	v0 =	vnsel vm9, $0x1, v0;
	v1 =	vsel vm4, $0x0, v1  }
0x191: {  	vm4 =	vlt.u32 v13, $0x3E8;
	v0 =	vsel vm6, $0x0, v0;
	[tilespmem:s22+$0x10180] =	vst v1;
	v1 =	vsel vm5, $0x0, v2  }
0x192: {  	v2 =	vadd.s32 $0x2, v13;
	vm5 =	vlt.u32 v4, $0x3E8;
	[tilespmem:s22+$0x10190] =	vst v1;
	v1 =	vnsel vm10, $0x1, v3  }
0x193: {  	[tilespmem:s22+$0x101A0] =	vst v0;
	v3 =	vadd.s32 $0x2, v4;
	v0 =	vsel vm3, $0x0, v1;
	v1 =	vnsel vm7, $0x1, v5  }
0x194: {  	[tilespmem:s22+$0x101B0] =	vst v0;
	v0 =	vsel vm2, $0x0, v1;
	v1 =	vnsel vm4, $0x1, v2;
	vm2 =	vlt.u32 v6, $0x3E8  }
0x195: {  	s21 =	sadd.s32 $0x180, s21;
	v2 =	vadd.s32 $0x2, v6;
	[tilespmem:s22+$0x101C0] =	vst v0;
	v0 =	vsel vm1, $0x0, v1;
	v1 =	vnsel vm5, $0x1, v3  }
0x196: {  	s26 =	sor.u32 $0x400, s21;
	[tilespmem:s22+$0x101D0] =	vst v0;
	v0 =	vsel vm0, $0x0, v1;
	v1 =	vnsel vm2, $0x1, v2;
	vm0 =	veq.s32 v6, $0x1  }
0x197: {  	s29 =	sadd.s32 $0x180, s23;
	v2 =	vld [tilespmem:s26+$0x0];
	[tilespmem:s22+$0x101E0] =	vst v0;
	v0 =	vsel vm0, $0x0, v1  }
0x198: {  	s30 =	sor.u32 $0x400, s29;
	[tilespmem:s22+$0x101F0] =	vst v0  }
0x199: {  	v0 =	vld [tilespmem:s30+$0x0];
	_ =	sdelay $0x2  }
0x19a: {  	vm0 =	vlt.u32 v2, $0x3E8;
	v1 =	vadd.s32 $0x2, v2  }
0x19b: {  	v1 =	vnsel vm0, $0x1, v1;
	vm0 =	veq.s32 v2, $0x1  }
0x19c: {  	v1 =	vsel vm0, $0x0, v1;
	vm0 =	vlt.u32 v0, $0x3E8;
	v2 =	vadd.s32 $0x2, v0  }
0x19d: {  	s31 =	sor.u32 $0x410, s21;
	[tilespmem:s26+$0x10000] =	vst v1;
	v1 =	vnsel vm0, $0x1, v2;
	vm0 =	veq.s32 v0, $0x1  }
0x19e: {  	v0 =	vld [tilespmem:s31+$0x0];
	v1 =	vsel vm0, $0x0, v1  }
0x19f: {  	s22 =	sor.u32 $0x410, s29;
	[tilespmem:s30+$0x10000] =	vst v1  }
0x1a0: {  	v1 =	vld [tilespmem:s22+$0x0];
	_ =	sdelay $0x2  }
0x1a1: {  	vm0 =	vlt.u32 v0, $0x3E8;
	v2 =	vadd.s32 $0x2, v0  }
0x1a2: {  	v2 =	vnsel vm0, $0x1, v2;
	vm0 =	veq.s32 v0, $0x1  }
0x1a3: {  	v0 =	vsel vm0, $0x0, v2;
	vm0 =	vlt.u32 v1, $0x3E8;
	v2 =	vadd.s32 $0x2, v1  }
0x1a4: {  	s23 =	sor.u32 $0x420, s21;
	[tilespmem:s31+$0x10000] =	vst v0;
	v0 =	vnsel vm0, $0x1, v2;
	vm0 =	veq.s32 v1, $0x1  }
0x1a5: {  	v1 =	vld [tilespmem:s23+$0x0];
	v0 =	vsel vm0, $0x0, v0  }
0x1a6: {  	s24 =	sor.u32 $0x420, s29;
	[tilespmem:s22+$0x10000] =	vst v0  }
0x1a7: {  	v0 =	vld [tilespmem:s24+$0x0];
	_ =	sdelay $0x2  }
0x1a8: {  	vm0 =	vlt.u32 v1, $0x3E8;
	v2 =	vadd.s32 $0x2, v1  }
0x1a9: {  	v2 =	vnsel vm0, $0x1, v2;
	vm0 =	veq.s32 v1, $0x1  }
0x1aa: {  	v1 =	vsel vm0, $0x0, v2;
	vm0 =	vlt.u32 v0, $0x3E8;
	v2 =	vadd.s32 $0x2, v0  }
0x1ab: {  	s25 =	sor.u32 $0x430, s21;
	[tilespmem:s23+$0x10000] =	vst v1;
	v1 =	vnsel vm0, $0x1, v2;
	vm0 =	veq.s32 v0, $0x1  }
0x1ac: {  	v0 =	vld [tilespmem:s25+$0x0];
	v1 =	vsel vm0, $0x0, v1  }
0x1ad: {  	s26 =	sor.u32 $0x430, s29;
	[tilespmem:s24+$0x10000] =	vst v1  }
0x1ae: {  	v1 =	vld [tilespmem:s26+$0x0];
	_ =	sdelay $0x2  }
0x1af: {  	vm0 =	vlt.u32 v0, $0x3E8;
	v2 =	vadd.s32 $0x2, v0  }
0x1b0: {  	v2 =	vnsel vm0, $0x1, v2;
	vm0 =	veq.s32 v0, $0x1  }
0x1b1: {  	v0 =	vsel vm0, $0x0, v2;
	vm0 =	vlt.u32 v1, $0x3E8;
	v2 =	vadd.s32 $0x2, v1  }
0x1b2: {  	s20 =	sor.u32 $0x440, s21;
	[tilespmem:s25+$0x10000] =	vst v0;
	v2 =	vnsel vm0, $0x1, v2;
	vm0 =	veq.s32 v1, $0x1  }
0x1b3: {  	v1 =	vld.msk [tilespmem:s20+$0x0], $0xff;
	v2 =	vsel vm0, $0x0, v2  }
0x1b4: {  	s21 =	sor.u32 $0x440, s29;
	[tilespmem:s26+$0x10000] =	vst v2  }
0x1b5: {  	v3 =	vld.msk [tilespmem:s21+$0x0], $0xff;
	_ =	sdelay $0x2  }
0x1b6: {  	vm0 =	vlt.u32 v1, $0x3E8;
	v4 =	vadd.s32 $0x2, v1  }
0x1b7: {  	v4 =	vnsel vm0, $0x1, v4;
	vm0 =	veq.s32 v1, $0x1  }
0x1b8: {  	[tilespmem:s25+$0x10000] =	vst v0;
	v1 =	vsel vm0, $0x0, v4;
	vm0 =	vlt.u32 v3, $0x3E8;
	v0 =	vadd.s32 $0x2, v3  }
0x1b9: {  	[tilespmem:s26+$0x10000] =	vst v2;
	v0 =	vnsel vm0, $0x1, v0;
	vm0 =	veq.s32 v3, $0x1  }
0x1ba: {  	s29 =	sshll.u32 s18, $0xD;
	[tilespmem:s20+$0x10000] =	vst.msk $0xff, v1;
	v0 =	vsel vm0, $0x0, v0  }
0x1bb: {  	s0 =	sadd.s32 s29, s7;
	[tilespmem:s21+$0x10000] =	vst.msk $0xff, v0  }
0x1bc: {  	[hbm4b:s0+s2] =	stream.linear.scatter [tilespmem:s12], [sflag:$0x3], $0x8000, $0x38;
	v63 =	vld [tilespmem:$0x0]  }
0x1bd: {  	s0 =	simm.s32 @p2 $0x2  }
0x1be: {  	s1 =	sadd.s32 @!p2 s19, s8;
	_ =	swait.ge @p2 [sflag:s0], $0x8000  }
0x1bf: {  	s1 =	sshll.u32 @!p2 s1, $0x5;
	[sflag:s0] =	ssyncset.done @p2 $0x0  }
0x1c0: {  	[sflag:s0] =	ssyncadd.s32 @p2 $0xFFFF8000;
	s0 =	sadd.s32 @!p2 s3, s1;
	s1 =	simm.s32 @!p2 $0x0  }
0x1c1: {  	[tilespmem:s1], [sflag:$0x1] =	stream.linear.gather @!p2 [hbm4b:s0+s1], $0x8000, $0x38;
	v63 =	vld [tilespmem:$0x0]  }
0x1c2: {  	s0 =	simm.s32 @!p2 $0x2  }
0x1c3: {  	s0 =	simm.s32 @p2 $0x4  }
0x1c4: {  	s30 =	simm.s32 $0x0;
	_ =	swait.ge [sflag:s0], $0x8000  }
0x1c5: {  	s31 =	sand.u32 $0x7800, s30;
	s1 =	sand.u32 $0x200, s30;
	[sflag:s0] =	ssyncset.done $0x0  }
0x1c6: {  	s18 =	sor.u32 s1, s31;
	[sflag:s0] =	ssyncadd.s32 $0xFFFF8000  }
0x1c7: {  	v0 =	vld [tilespmem:s18+$0x8000]  }
0x1c8: {  	v1 =	vld [tilespmem:s18+$0x8010]  }
0x1c9: {  	v2 =	vld [tilespmem:s18+$0x8020]  }
0x1ca: {  	v3 =	vld [tilespmem:s18+$0x8030]  }
0x1cb: {  	v4 =	vld [tilespmem:s18+$0x8040]  }
0x1cc: {  	v5 =	vld [tilespmem:s18+$0x8050]  }
0x1cd: {  	v6 =	vld [tilespmem:s18+$0x8060];
	_ =	sdelay $0x2  }
0x1ce: {  	vm3 =	veq.s32 v0, $0x1;
	vm4 =	veq.s32 v1, $0x1;
	vm5 =	veq.s32 v2, $0x1  }
0x1cf: {  	vm6 =	veq.s32 v3, $0x1;
	vm2 =	veq.s32 v4, $0x1;
	vm1 =	veq.s32 v5, $0x1  }
0x1d0: {  	vm0 =	veq.s32 v6, $0x1;
	vm7 =	vlt.u32 v0, $0x3E8;
	v0 =	vadd.s32 $0x2, v0  }
0x1d1: {  	vm8 =	vlt.u32 v1, $0x3E8;
	v1 =	vadd.s32 $0x2, v1;
	vm9 =	vlt.u32 v2, $0x3E8  }
0x1d2: {  	v7 =	vld [tilespmem:s18+$0x8070];
	v2 =	vadd.s32 $0x2, v2;
	vm10 =	vlt.u32 v3, $0x3E8;
	v3 =	vadd.s32 $0x2, v3  }
0x1d3: {  	vm11 =	vlt.u32 v4, $0x3E8;
	v4 =	vadd.s32 $0x2, v4;
	v0 =	vnsel vm7, $0x1, v0  }
0x1d4: {  	vm7 =	vlt.u32 v5, $0x3E8;
	v1 =	vnsel vm8, $0x1, v1;
	v0 =	vsel vm3, $0x0, v0  }
0x1d5: {  	v5 =	vadd.s32 $0x2, v5;
	v2 =	vnsel vm9, $0x1, v2;
	v1 =	vsel vm4, $0x0, v1;
	[tilespmem:s18+$0x18000] =	vst v0  }
0x1d6: {  	vm3 =	vlt.u32 v6, $0x3E8;
	v2 =	vsel vm5, $0x0, v2;
	v0 =	vnsel vm10, $0x1, v3;
	[tilespmem:s18+$0x18010] =	vst v1  }
0x1d7: {  	vm4 =	vlt.u32 v7, $0x3E8;
	v3 =	vnsel vm11, $0x1, v4;
	[tilespmem:s18+$0x18020] =	vst v2;
	v0 =	vsel vm6, $0x0, v0  }
0x1d8: {  	p2 =	por $0x0, $0x0;
	s0 =	simm.s32 $0x1;
	v1 =	vadd.s32 $0x2, v6;
	v2 =	vnsel vm7, $0x1, v5;
	v3 =	vsel vm2, $0x0, v3;
	[tilespmem:s18+$0x18030] =	vst v0  }
0x1d9: {  	s0 =	simm.s32 @!p2 $0x0;
	v1 =	vnsel vm3, $0x1, v1;
	v2 =	vsel vm1, $0x0, v2;
	v0 =	vadd.s32 $0x2, v7;
	[tilespmem:s18+$0x18040] =	vst v3  }
0x1da: {  	s0 =	sshll.u32 s0, $0x9;
	vm1 =	veq.s32 v7, $0x1;
	v1 =	vsel vm0, $0x0, v1;
	[tilespmem:s18+$0x18050] =	vst v2;
	v0 =	vnsel vm4, $0x1, v0  }
0x1db: {  	s19 =	sadd.s32 $0x0, s0;
	[tilespmem:s18+$0x18060] =	vst v1;
	v0 =	vsel vm1, $0x0, v0  }
0x1dc: {  	s0 =	sor.u32 $0x400, s19;
	[tilespmem:s18+$0x18070] =	vst v0  }
0x1dd: {  	v0 =	vld [tilespmem:s0+$0x8000];
	_ =	sdelay $0x4  }
0x1de: {  	vm0 =	vlt.u32 v0, $0x3E8;
	v1 =	vadd.s32 $0x2, v0  }
0x1df: {  	v1 =	vnsel vm0, $0x1, v1;
	vm0 =	veq.s32 v0, $0x1  }
0x1e0: {  	v0 =	vsel vm0, $0x0, v1  }
0x1e1: {  	s1 =	sor.u32 $0x410, s19;
	[tilespmem:s0+$0x18000] =	vst v0  }
0x1e2: {  	v0 =	vld [tilespmem:s1+$0x8000];
	_ =	sdelay $0x4  }
0x1e3: {  	vm0 =	vlt.u32 v0, $0x3E8;
	v1 =	vadd.s32 $0x2, v0  }
0x1e4: {  	v1 =	vnsel vm0, $0x1, v1;
	vm0 =	veq.s32 v0, $0x1  }
0x1e5: {  	v0 =	vsel vm0, $0x0, v1  }
0x1e6: {  	s20 =	sor.u32 $0x420, s19;
	[tilespmem:s1+$0x18000] =	vst v0  }
0x1e7: {  	v0 =	vld [tilespmem:s20+$0x8000];
	_ =	sdelay $0x4  }
0x1e8: {  	vm0 =	vlt.u32 v0, $0x3E8;
	v1 =	vadd.s32 $0x2, v0  }
0x1e9: {  	v1 =	vnsel vm0, $0x1, v1;
	vm0 =	veq.s32 v0, $0x1  }
0x1ea: {  	v0 =	vsel vm0, $0x0, v1  }
0x1eb: {  	s21 =	sor.u32 $0x430, s19;
	[tilespmem:s20+$0x18000] =	vst v0  }
0x1ec: {  	v0 =	vld [tilespmem:s21+$0x8000];
	_ =	sdelay $0x4  }
0x1ed: {  	vm0 =	vlt.u32 v0, $0x3E8;
	v1 =	vadd.s32 $0x2, v0  }
0x1ee: {  	v1 =	vnsel vm0, $0x1, v1;
	vm0 =	veq.s32 v0, $0x1  }
0x1ef: {  	v0 =	vsel vm0, $0x0, v1  }
0x1f0: {  	s22 =	sor.u32 $0x440, s19;
	[tilespmem:s21+$0x18000] =	vst v0  }
0x1f1: {  	v1 =	vld.msk [tilespmem:s22+$0x8000], $0xff;
	_ =	sdelay $0x4  }
0x1f2: {  	vm0 =	vlt.u32 v1, $0x3E8;
	v2 =	vadd.s32 $0x2, v1  }
0x1f3: {  	v2 =	vnsel vm0, $0x1, v2;
	vm0 =	veq.s32 v1, $0x1  }
0x1f4: {  	[tilespmem:s21+$0x18000] =	vst v0;
	v1 =	vsel vm0, $0x0, v2  }
0x1f5: {  	[tilespmem:s22+$0x18000] =	vst.msk $0xff, v1  }
0x1f6: {  	v0 =	vld [tilespmem:s18+$0x8080]  }
0x1f7: {  	v1 =	vld [tilespmem:s18+$0x8090]  }
0x1f8: {  	v2 =	vld [tilespmem:s18+$0x80A0]  }
0x1f9: {  	v3 =	vld [tilespmem:s18+$0x80B0]  }
0x1fa: {  	v4 =	vld [tilespmem:s18+$0x80C0]  }
0x1fb: {  	v5 =	vld [tilespmem:s18+$0x80D0]  }
0x1fc: {  	v6 =	vld [tilespmem:s18+$0x80E0];
	_ =	sdelay $0x2  }
0x1fd: {  	vm4 =	veq.s32 v0, $0x1;
	vm5 =	veq.s32 v1, $0x1;
	vm6 =	veq.s32 v2, $0x1  }
0x1fe: {  	vm3 =	veq.s32 v3, $0x1;
	vm2 =	veq.s32 v4, $0x1;
	vm7 =	vlt.u32 v0, $0x3E8  }
0x1ff: {  	vm1 =	veq.s32 v5, $0x1;
	vm0 =	veq.s32 v6, $0x1;
	v0 =	vadd.s32 $0x2, v0  }
0x200: {  	vm8 =	vlt.u32 v1, $0x3E8;
	v1 =	vadd.s32 $0x2, v1;
	vm9 =	vlt.u32 v2, $0x3E8  }
0x201: {  	v2 =	vadd.s32 $0x2, v2;
	vm10 =	vlt.u32 v3, $0x3E8;
	v3 =	vadd.s32 $0x2, v3  }
0x202: {  	s23 =	simm.s32 $0x200;
	s24 =	simm.s32 $0x400;
	v7 =	vld [tilespmem:s18+$0x80F0];
	vm11 =	vlt.u32 v4, $0x3E8;
	v4 =	vadd.s32 $0x2, v4;
	v0 =	vnsel vm7, $0x1, v0  }
0x203: {  	s0 =	sand.u32 $0x200, s23;
	s1 =	sand.u32 $0x7800, s24;
	v1 =	vnsel vm8, $0x1, v1;
	v0 =	vsel vm4, $0x0, v0;
	vm4 =	vlt.u32 v5, $0x3E8  }
0x204: {  	s20 =	sor.u32 s0, s1;
	[tilespmem:s18+$0x18080] =	vst v0;
	v0 =	vsel vm5, $0x0, v1;
	v1 =	vnsel vm9, $0x1, v2;
	v2 =	vadd.s32 $0x2, v5  }
0x205: {  	v8 =	vld [tilespmem:s20+$0x8040];
	vm5 =	vlt.u32 v6, $0x3E8;
	[tilespmem:s18+$0x18090] =	vst v0;
	v0 =	vsel vm6, $0x0, v1;
	v1 =	vnsel vm10, $0x1, v3  }
0x206: {  	v5 =	vld [tilespmem:s20+$0x8000];
	[tilespmem:s18+$0x180A0] =	vst v0;
	v0 =	vsel vm3, $0x0, v1;
	v1 =	vnsel vm11, $0x1, v4;
	v4 =	vadd.s32 $0x2, v6  }
0x207: {  	v3 =	vld [tilespmem:s20+$0x8010];
	[tilespmem:s18+$0x180B0] =	vst v0;
	v0 =	vsel vm2, $0x0, v1;
	v1 =	vnsel vm4, $0x1, v2;
	vm2 =	vlt.u32 v7, $0x3E8  }
0x208: {  	v6 =	vld [tilespmem:s20+$0x8020];
	[tilespmem:s18+$0x180C0] =	vst v0;
	v0 =	vsel vm1, $0x0, v1;
	v1 =	vnsel vm5, $0x1, v4;
	v4 =	vadd.s32 $0x2, v7  }
0x209: {  	v2 =	vld [tilespmem:s20+$0x8030];
	[tilespmem:s18+$0x180D0] =	vst v0;
	v0 =	vsel vm0, $0x0, v1;
	v1 =	vnsel vm2, $0x1, v4;
	vm0 =	veq.s32 v7, $0x1  }
0x20a: {  	s25 =	sadd.s32 $0x80, s19;
	v4 =	vld [tilespmem:s20+$0x8050];
	[tilespmem:s18+$0x180E0] =	vst v0;
	v0 =	vsel vm0, $0x0, v1  }
0x20b: {  	s26 =	sor.u32 $0x400, s25;
	vm11 =	vlt.u32 v8, $0x3E8;
	vm5 =	veq.s32 v5, $0x1;
	vm2 =	veq.s32 v8, $0x1;
	v1 =	vld [tilespmem:s20+$0x8060];
	[tilespmem:s18+$0x180F0] =	vst v0  }
0x20c: {  	vm7 =	vlt.u32 v5, $0x3E8;
	v5 =	vadd.s32 $0x2, v5;
	v8 =	vadd.s32 $0x2, v8;
	v0 =	vld [tilespmem:s26+$0x8000]  }
0x20d: {  	vm6 =	veq.s32 v3, $0x1;
	vm9 =	vlt.u32 v3, $0x3E8;
	v5 =	vnsel vm7, $0x1, v5  }
0x20e: {  	vm3 =	veq.s32 v2, $0x1;
	vm10 =	vlt.u32 v2, $0x3E8;
	v2 =	vadd.s32 $0x2, v2  }
0x20f: {  	vm4 =	veq.s32 v6, $0x1;
	v2 =	vnsel vm10, $0x1, v2;
	vm1 =	veq.s32 v4, $0x1  }
0x210: {  	vm7 =	vlt.u32 v4, $0x3E8;
	v4 =	vadd.s32 $0x2, v4;
	v2 =	vsel vm3, $0x0, v2  }
0x211: {  	vm0 =	veq.s32 v1, $0x1;
	vm8 =	vlt.u32 v0, $0x3E8;
	v7 =	vadd.s32 $0x2, v0  }
0x212: {  	v4 =	vnsel vm7, $0x1, v4;
	v7 =	vnsel vm8, $0x1, v7;
	vm8 =	veq.s32 v0, $0x1  }
0x213: {  	[tilespmem:s20+$0x18030] =	vst v2;
	v0 =	vadd.s32 $0x2, v3;
	v3 =	vsel vm8, $0x0, v7;
	vm8 =	vlt.u32 v6, $0x3E8;
	v7 =	vld [tilespmem:s20+$0x8070]  }
0x214: {  	s29 =	sor.u32 $0x410, s25;
	v6 =	vadd.s32 $0x2, v6;
	v0 =	vnsel vm9, $0x1, v0;
	[tilespmem:s26+$0x18000] =	vst v3;
	v3 =	vsel vm5, $0x0, v5  }
0x215: {  	v4 =	vsel vm1, $0x0, v4;
	v5 =	vnsel vm8, $0x1, v6;
	v0 =	vsel vm6, $0x0, v0;
	[tilespmem:s20+$0x18000] =	vst v3;
	v3 =	vld [tilespmem:s29+$0x8000]  }
0x216: {  	vm5 =	vlt.u32 v1, $0x3E8;
	[tilespmem:s20+$0x18010] =	vst v0;
	v0 =	vadd.s32 $0x2, v1;
	v1 =	vnsel vm11, $0x1, v8  }
0x217: {  	p2 =	por !p2, !p2;
	s1 =	simm.s32 $0x1;
	[tilespmem:s20+$0x18050] =	vst v4;
	v5 =	vsel vm4, $0x0, v5;
	v1 =	vsel vm2, $0x0, v1  }
0x218: {  	s1 =	simm.s32 @!p2 $0x0;
	[tilespmem:s20+$0x18020] =	vst v5;
	v0 =	vnsel vm5, $0x1, v0;
	vm3 =	vlt.u32 v7, $0x3E8;
	v2 =	vadd.s32 $0x2, v7  }
0x219: {  	s1 =	sshll.u32 s1, $0x9;
	[tilespmem:s20+$0x18040] =	vst v1;
	v0 =	vsel vm0, $0x0, v0;
	vm1 =	veq.s32 v7, $0x1;
	v1 =	vnsel vm3, $0x1, v2  }
0x21a: {  	s21 =	sadd.s32 $0x400, s1;
	[tilespmem:s20+$0x18060] =	vst v0;
	vm0 =	vlt.u32 v3, $0x3E8;
	v2 =	vadd.s32 $0x2, v3;
	v1 =	vsel vm1, $0x0, v1  }
0x21b: {  	s1 =	sor.u32 $0x400, s21;
	v0 =	vnsel vm0, $0x1, v2;
	vm0 =	veq.s32 v3, $0x1;
	[tilespmem:s20+$0x18070] =	vst v1  }
0x21c: {  	v0 =	vsel vm0, $0x0, v0;
	v1 =	vld [tilespmem:s1+$0x8000]  }
0x21d: {  	s30 =	sor.u32 $0x420, s25;
	[tilespmem:s29+$0x18000] =	vst v0  }
0x21e: {  	v0 =	vld [tilespmem:s30+$0x8000];
	_ =	sdelay $0x2  }
0x21f: {  	vm0 =	vlt.u32 v1, $0x3E8;
	v2 =	vadd.s32 $0x2, v1  }
0x220: {  	v2 =	vnsel vm0, $0x1, v2;
	vm0 =	veq.s32 v1, $0x1  }
0x221: {  	v1 =	vsel vm0, $0x0, v2;
	vm0 =	vlt.u32 v0, $0x3E8;
	v2 =	vadd.s32 $0x2, v0  }
0x222: {  	s31 =	sor.u32 $0x410, s21;
	[tilespmem:s1+$0x18000] =	vst v1;
	v1 =	vnsel vm0, $0x1, v2;
	vm0 =	veq.s32 v0, $0x1  }
0x223: {  	v0 =	vld [tilespmem:s31+$0x8000];
	v1 =	vsel vm0, $0x0, v1  }
0x224: {  	s23 =	sor.u32 $0x430, s25;
	[tilespmem:s30+$0x18000] =	vst v1  }
0x225: {  	v1 =	vld [tilespmem:s23+$0x8000];
	_ =	sdelay $0x2  }
0x226: {  	vm0 =	vlt.u32 v0, $0x3E8;
	v2 =	vadd.s32 $0x2, v0  }
0x227: {  	v2 =	vnsel vm0, $0x1, v2;
	vm0 =	veq.s32 v0, $0x1  }
0x228: {  	v0 =	vsel vm0, $0x0, v2;
	vm0 =	vlt.u32 v1, $0x3E8;
	v2 =	vadd.s32 $0x2, v1  }
0x229: {  	s24 =	sor.u32 $0x420, s21;
	[tilespmem:s31+$0x18000] =	vst v0;
	v0 =	vnsel vm0, $0x1, v2;
	vm0 =	veq.s32 v1, $0x1  }
0x22a: {  	v1 =	vld [tilespmem:s24+$0x8000];
	v0 =	vsel vm0, $0x0, v0  }
0x22b: {  	s25 =	sor.u32 $0x440, s25;
	[tilespmem:s23+$0x18000] =	vst v0  }
0x22c: {  	v2 =	vld.msk [tilespmem:s25+$0x8000], $0xff;
	_ =	sdelay $0x2  }
0x22d: {  	vm0 =	vlt.u32 v1, $0x3E8;
	v3 =	vadd.s32 $0x2, v1  }
0x22e: {  	v3 =	vnsel vm0, $0x1, v3;
	vm0 =	veq.s32 v1, $0x1  }
0x22f: {  	v1 =	vsel vm0, $0x0, v3;
	vm0 =	vlt.u32 v2, $0x3E8;
	v3 =	vadd.s32 $0x2, v2  }
0x230: {  	[tilespmem:s24+$0x18000] =	vst v1;
	v1 =	vnsel vm0, $0x1, v3;
	vm0 =	veq.s32 v2, $0x1  }
0x231: {  	s26 =	sor.u32 $0x430, s21;
	[tilespmem:s23+$0x18000] =	vst v0;
	v1 =	vsel vm0, $0x0, v1  }
0x232: {  	v0 =	vld [tilespmem:s26+$0x8000];
	[tilespmem:s25+$0x18000] =	vst.msk $0xff, v1  }
0x233: {  	v1 =	vld [tilespmem:s18+$0x8100]  }
0x234: {  	v2 =	vld [tilespmem:s18+$0x8110]  }
0x235: {  	v3 =	vld [tilespmem:s18+$0x8120]  }
0x236: {  	v4 =	vld [tilespmem:s18+$0x8130]  }
0x237: {  	v5 =	vld [tilespmem:s18+$0x8140]  }
0x238: {  	v7 =	vld [tilespmem:s18+$0x8150];
	vm0 =	vlt.u32 v0, $0x3E8;
	v6 =	vadd.s32 $0x2, v0  }
0x239: {  	v6 =	vnsel vm0, $0x1, v6;
	vm0 =	veq.s32 v0, $0x1  }
0x23a: {  	v6 =	vsel vm0, $0x0, v6  }
0x23b: {  	vm2 =	veq.s32 v1, $0x1;
	vm3 =	veq.s32 v2, $0x1;
	vm4 =	veq.s32 v3, $0x1  }
0x23c: {  	vm5 =	veq.s32 v4, $0x1;
	vm0 =	vlt.u32 v1, $0x3E8;
	v1 =	vadd.s32 $0x2, v1  }
0x23d: {  	v0 =	vld [tilespmem:s18+$0x8160];
	vm6 =	veq.s32 v5, $0x1;
	vm1 =	veq.s32 v7, $0x1;
	vm7 =	vlt.u32 v2, $0x3E8  }
0x23e: {  	v2 =	vadd.s32 $0x2, v2;
	vm8 =	vlt.u32 v4, $0x3E8;
	v1 =	vnsel vm0, $0x1, v1  }
0x23f: {  	v2 =	vnsel vm7, $0x1, v2;
	vm7 =	vlt.u32 v5, $0x3E8;
	v5 =	vadd.s32 $0x2, v5  }
0x240: {  	v1 =	vsel vm2, $0x0, v1;
	vm2 =	vlt.u32 v3, $0x3E8;
	v3 =	vadd.s32 $0x2, v3  }
0x241: {  	v2 =	vsel vm3, $0x0, v2;
	[tilespmem:s18+$0x18100] =	vst v1;
	v1 =	vadd.s32 $0x2, v4;
	v4 =	vld [tilespmem:s18+$0x8170];
	v3 =	vnsel vm2, $0x1, v3  }
0x242: {  	[tilespmem:s26+$0x18000] =	vst v6;
	vm2 =	vlt.u32 v7, $0x3E8;
	vm0 =	veq.s32 v0, $0x1;
	v1 =	vnsel vm8, $0x1, v1  }
0x243: {  	[tilespmem:s18+$0x18110] =	vst v2;
	v2 =	vsel vm4, $0x0, v3;
	v3 =	vadd.s32 $0x2, v7;
	vm3 =	vlt.u32 v0, $0x3E8  }
0x244: {  	v0 =	vadd.s32 $0x2, v0;
	v1 =	vsel vm5, $0x0, v1;
	[tilespmem:s18+$0x18120] =	vst v2;
	v2 =	vnsel vm7, $0x1, v5  }
0x245: {  	v0 =	vnsel vm3, $0x1, v0;
	[tilespmem:s18+$0x18130] =	vst v1;
	v1 =	vsel vm6, $0x0, v2;
	v2 =	vnsel vm2, $0x1, v3  }
0x246: {  	[tilespmem:s18+$0x18140] =	vst v1;
	v1 =	vsel vm1, $0x0, v2;
	vm2 =	vlt.u32 v4, $0x3E8;
	v2 =	vadd.s32 $0x2, v4  }
0x247: {  	s29 =	sor.u32 $0x440, s21;
	v0 =	vsel vm0, $0x0, v0;
	[tilespmem:s18+$0x18150] =	vst v1;
	vm0 =	veq.s32 v4, $0x1;
	v1 =	vnsel vm2, $0x1, v2  }
0x248: {  	s25 =	sadd.s32 $0x100, s19;
	[tilespmem:s18+$0x18160] =	vst v0;
	v2 =	vld.msk [tilespmem:s29+$0x8000], $0xff;
	v0 =	vsel vm0, $0x0, v1  }
0x249: {  	s30 =	sor.u32 $0x400, s25;
	[tilespmem:s18+$0x18170] =	vst v0  }
0x24a: {  	v0 =	vld [tilespmem:s30+$0x8000];
	_ =	sdelay $0x2  }
0x24b: {  	vm0 =	vlt.u32 v2, $0x3E8;
	v1 =	vadd.s32 $0x2, v2  }
0x24c: {  	v1 =	vnsel vm0, $0x1, v1;
	vm0 =	veq.s32 v2, $0x1  }
0x24d: {  	[tilespmem:s26+$0x18000] =	vst v6;
	v1 =	vsel vm0, $0x0, v1;
	vm0 =	vlt.u32 v0, $0x3E8;
	v2 =	vadd.s32 $0x2, v0  }
0x24e: {  	[tilespmem:s29+$0x18000] =	vst.msk $0xff, v1;
	v1 =	vnsel vm0, $0x1, v2;
	vm0 =	veq.s32 v0, $0x1  }
0x24f: {  	v1 =	vsel vm0, $0x0, v1  }
0x250: {  	s31 =	sor.u32 $0x410, s25;
	v0 =	vld [tilespmem:s20+$0x8080];
	[tilespmem:s30+$0x18000] =	vst v1  }
0x251: {  	v4 =	vld [tilespmem:s31+$0x8000]  }
0x252: {  	v3 =	vld [tilespmem:s20+$0x8090]  }
0x253: {  	v5 =	vld [tilespmem:s20+$0x80A0]  }
0x254: {  	v8 =	vld [tilespmem:s20+$0x80B0]  }
0x255: {  	v62 =	vld [tilespmem:s20+$0x80C0]  }
0x256: {  	v2 =	vld [tilespmem:s20+$0x80D0];
	vm0 =	vlt.u32 v4, $0x3E8;
	v6 =	vadd.s32 $0x2, v4  }
0x257: {  	v6 =	vnsel vm0, $0x1, v6;
	vm0 =	veq.s32 v4, $0x1  }
0x258: {  	v1 =	vld [tilespmem:s20+$0x80E0];
	v4 =	vsel vm0, $0x0, v6  }
0x259: {  	s28 =	sor.u32 $0x420, s25;
	vm6 =	veq.s32 v0, $0x1;
	vm5 =	veq.s32 v3, $0x1;
	[tilespmem:s31+$0x18000] =	vst v4  }
0x25a: {  	vm4 =	veq.s32 v5, $0x1;
	vm11 =	vlt.u32 v0, $0x3E8;
	v7 =	vadd.s32 $0x2, v0;
	v0 =	vld [tilespmem:s28+$0x8000]  }
0x25b: {  	vm3 =	veq.s32 v8, $0x1;
	vm2 =	veq.s32 v62, $0x1;
	vm1 =	veq.s32 v2, $0x1  }
0x25c: {  	vm10 =	vlt.u32 v3, $0x3E8;
	vm9 =	vlt.u32 v5, $0x3E8;
	v5 =	vadd.s32 $0x2, v5  }
0x25d: {  	vm8 =	vlt.u32 v8, $0x3E8;
	vm7 =	vlt.u32 v62, $0x3E8;
	vm0 =	veq.s32 v1, $0x1  }
0x25e: {  	s22 =	simm.s32 $0x4;
	s23 =	simm.s32 $0x400;
	s24 =	simm.s32 $0x800;
	v6 =	vadd.s32 $0x2, v3;
	v3 =	vadd.s32 $0x2, v62;
	v4 =	vadd.s32 $0x2, v8  }
.LBB2_5:
0x25f: {  	s0 =	sand.u32 $0x7800, s24;
	s1 =	sand.u32 $0x200, s23;
	v7 =	vnsel vm11, $0x1, v7;
	vm11 =	vlt.u32 v0, $0x3E8;
	v8 =	vadd.s32 $0x2, v0  }
0x260: {  	s26 =	sor.u32 s1, s0;
	v7 =	vsel vm6, $0x0, v7;
	v9 =	vld [tilespmem:s20+$0x80F0];
	v8 =	vnsel vm11, $0x1, v8;
	vm6 =	veq.s32 v0, $0x1  }
0x261: {  	v6 =	vnsel vm10, $0x1, v6;
	vm10 =	vlt.u32 v2, $0x3E8;
	v0 =	vld [tilespmem:s26+$0x8000];
	[tilespmem:s20+$0x18080] =	vst v7;
	v7 =	vsel vm6, $0x0, v8  }
0x262: {  	v5 =	vnsel vm9, $0x1, v5;
	v2 =	vadd.s32 $0x2, v2;
	s29 =	sor.u32 $0x430, s25;
	v6 =	vsel vm5, $0x0, v6;
	v8 =	vld [tilespmem:s26+$0x8010];
	[tilespmem:s28+$0x18000] =	vst v7  }
0x263: {  	v4 =	vnsel vm8, $0x1, v4;
	v5 =	vsel vm4, $0x0, v5;
	vm4 =	vlt.u32 v1, $0x3E8;
	[tilespmem:s20+$0x18090] =	vst v6;
	v6 =	vld [tilespmem:s29+$0x8000]  }
0x264: {  	v3 =	vnsel vm7, $0x1, v3;
	v4 =	vsel vm3, $0x0, v4;
	v1 =	vadd.s32 $0x2, v1;
	v7 =	vld [tilespmem:s26+$0x8020];
	[tilespmem:s20+$0x180A0] =	vst v5  }
0x265: {  	v3 =	vsel vm2, $0x0, v3;
	v2 =	vnsel vm10, $0x1, v2;
	v5 =	vld [tilespmem:s26+$0x8030];
	[tilespmem:s20+$0x180B0] =	vst v4;
	vm2 =	vlt.u32 v9, $0x3E8  }
0x266: {  	v2 =	vsel vm1, $0x0, v2;
	v1 =	vnsel vm4, $0x1, v1;
	v4 =	vld [tilespmem:s26+$0x8040];
	[tilespmem:s20+$0x180C0] =	vst v3;
	v3 =	vadd.s32 $0x2, v9  }
0x267: {  	v1 =	vsel vm0, $0x0, v1;
	vm0 =	veq.s32 v9, $0x1;
	v10 =	vld [tilespmem:s26+$0x8050];
	[tilespmem:s20+$0x180D0] =	vst v2;
	v2 =	vnsel vm2, $0x1, v3  }
0x268: {  	s28 =	sadd.s32 $0x80, s21;
	v3 =	vld [tilespmem:s26+$0x8060];
	[tilespmem:s20+$0x180E0] =	vst v1;
	v1 =	vsel vm0, $0x0, v2;
	vm0 =	vlt.u32 v6, $0x3E8;
	v2 =	vadd.s32 $0x2, v6  }
0x269: {  	s0 =	sor.u32 $0x400, s28;
	v9 =	vld [tilespmem:s26+$0x8070];
	[tilespmem:s20+$0x180F0] =	vst v1;
	v1 =	vnsel vm0, $0x1, v2;
	vm0 =	veq.s32 v6, $0x1  }
0x26a: {  	v2 =	vld [tilespmem:s0+$0x8000];
	v1 =	vsel vm0, $0x0, v1  }
0x26b: {  	s1 =	sor.u32 $0x440, s25;
	vm7 =	veq.s32 v0, $0x1;
	[tilespmem:s29+$0x18000] =	vst v1  }
0x26c: {  	vm3 =	veq.s32 v8, $0x1;
	vm4 =	veq.s32 v7, $0x1;
	vm5 =	veq.s32 v5, $0x1;
	v6 =	vld.msk [tilespmem:s1+$0x8000], $0xff  }
0x26d: {  	vm6 =	veq.s32 v4, $0x1;
	vm2 =	veq.s32 v10, $0x1;
	vm0 =	veq.s32 v3, $0x1  }
0x26e: {  	vm8 =	vlt.u32 v0, $0x3E8;
	v0 =	vadd.s32 $0x2, v0;
	vm1 =	veq.s32 v9, $0x1  }
0x26f: {  	vm9 =	vlt.u32 v8, $0x3E8;
	vm10 =	vlt.u32 v2, $0x3E8;
	v11 =	vadd.s32 $0x2, v2  }
0x270: {  	v8 =	vadd.s32 $0x2, v8;
	v11 =	vnsel vm10, $0x1, v11;
	vm10 =	veq.s32 v2, $0x1  }
0x271: {  	v2 =	vsel vm10, $0x0, v11;
	vm10 =	vlt.u32 v6, $0x3E8;
	v11 =	vadd.s32 $0x2, v6  }
0x272: {  	vm11 =	vlt.u32 v7, $0x3E8;
	[tilespmem:s0+$0x18000] =	vst v2;
	v2 =	vnsel vm10, $0x1, v11;
	vm10 =	veq.s32 v6, $0x1  }
0x273: {  	s25 =	sor.u32 $0x410, s28;
	vm12 =	vlt.u32 v5, $0x3E8;
	v6 =	vadd.s32 $0x2, v7;
	v2 =	vsel vm10, $0x0, v2;
	[tilespmem:s29+$0x18000] =	vst v1  }
0x274: {  	v1 =	vadd.s32 $0x2, v5;
	vm10 =	vlt.u32 v4, $0x3E8;
	v4 =	vadd.s32 $0x2, v4;
	v5 =	vld [tilespmem:s25+$0x8000];
	[tilespmem:s1+$0x18000] =	vst.msk $0xff, v2  }
0x275: {  	vm13 =	vlt.u32 v10, $0x3E8;
	vm14 =	vlt.u32 v3, $0x3E8;
	v2 =	vadd.s32 $0x2, v10;
	v7 =	vld [tilespmem:s18+$0x8180]  }
0x276: {  	v3 =	vadd.s32 $0x2, v3;
	vm15 =	vlt.u32 v9, $0x3E8;
	v9 =	vadd.s32 $0x2, v9;
	v10 =	vld [tilespmem:s18+$0x8190]  }
0x277: {  	v0 =	vnsel vm8, $0x1, v0;
	v8 =	vnsel vm9, $0x1, v8;
	v6 =	vnsel vm11, $0x1, v6;
	v11 =	vld [tilespmem:s18+$0x81A0]  }
0x278: {  	v1 =	vnsel vm12, $0x1, v1;
	v4 =	vnsel vm10, $0x1, v4;
	v2 =	vnsel vm13, $0x1, v2;
	v12 =	vld [tilespmem:s18+$0x81B0]  }
0x279: {  	v0 =	vsel vm7, $0x0, v0;
	v3 =	vnsel vm14, $0x1, v3;
	v9 =	vnsel vm15, $0x1, v9;
	v13 =	vld [tilespmem:s18+$0x81C0]  }
0x27a: {  	v8 =	vsel vm3, $0x0, v8;
	v6 =	vsel vm4, $0x0, v6;
	v1 =	vsel vm5, $0x0, v1;
	v14 =	vld [tilespmem:s18+$0x81D0]  }
0x27b: {  	v4 =	vsel vm6, $0x0, v4;
	vm3 =	vlt.u32 v5, $0x3E8;
	v15 =	vadd.s32 $0x2, v5;
	v16 =	vld [tilespmem:s18+$0x81E0]  }
0x27c: {  	[tilespmem:s26+$0x18000] =	vst v0;
	v0 =	vsel vm2, $0x0, v2;
	v2 =	vnsel vm3, $0x1, v15;
	vm2 =	veq.s32 v5, $0x1  }
0x27d: {  	v3 =	vsel vm0, $0x0, v3;
	v5 =	vsel vm1, $0x0, v9;
	[tilespmem:s26+$0x18010] =	vst v8;
	v2 =	vsel vm2, $0x0, v2  }
0x27e: {  	vm6 =	veq.s32 v7, $0x1;
	vm5 =	veq.s32 v10, $0x1;
	vm4 =	veq.s32 v11, $0x1;
	[tilespmem:s26+$0x18020] =	vst v6  }
0x27f: {  	vm3 =	veq.s32 v12, $0x1;
	vm2 =	veq.s32 v13, $0x1;
	[tilespmem:s26+$0x18030] =	vst v1;
	vm0 =	veq.s32 v14, $0x1  }
0x280: {  	vm7 =	vlt.u32 v7, $0x3E8;
	v1 =	vadd.s32 $0x2, v7;
	[tilespmem:s26+$0x18040] =	vst v4;
	vm1 =	veq.s32 v16, $0x1  }
0x281: {  	p2 =	por !p2, !p2;
	s0 =	simm.s32 $0x1;
	vm8 =	vlt.u32 v10, $0x3E8;
	vm9 =	vlt.u32 v11, $0x3E8;
	[tilespmem:s26+$0x18050] =	vst v0;
	v0 =	vadd.s32 $0x2, v10  }
0x282: {  	s0 =	simm.s32 @!p2 $0x0;
	vm10 =	vlt.u32 v12, $0x3E8;
	v4 =	vadd.s32 $0x2, v12;
	[tilespmem:s26+$0x18060] =	vst v3;
	v3 =	vadd.s32 $0x2, v11  }
0x283: {  	s0 =	sshll.u32 s0, $0x9;
	v1 =	vnsel vm7, $0x1, v1;
	vm7 =	vlt.u32 v13, $0x3E8;
	[tilespmem:s26+$0x18070] =	vst v5;
	v5 =	vadd.s32 $0x2, v13;
	v6 =	vld [tilespmem:s18+$0x81F0]  }
0x284: {  	s0 =	sadd.s32 s0, s24;
	v1 =	vsel vm6, $0x0, v1;
	vm6 =	vlt.u32 v14, $0x3E8;
	v0 =	vnsel vm8, $0x1, v0;
	[tilespmem:s25+$0x18000] =	vst v2  }
0x285: {  	s1 =	sor.u32 $0x400, s0;
	v0 =	vsel vm5, $0x0, v0;
	v2 =	vadd.s32 $0x2, v14;
	[tilespmem:s18+$0x18180] =	vst v1;
	v1 =	vnsel vm9, $0x1, v3  }
0x286: {  	v3 =	vld [tilespmem:s1+$0x8000];
	[tilespmem:s18+$0x18190] =	vst v0;
	v0 =	vsel vm4, $0x0, v1;
	v1 =	vnsel vm10, $0x1, v4;
	vm4 =	vlt.u32 v16, $0x3E8  }
0x287: {  	s29 =	sor.u32 $0x420, s28;
	v4 =	vadd.s32 $0x2, v16;
	[tilespmem:s18+$0x181A0] =	vst v0;
	v0 =	vsel vm3, $0x0, v1;
	v1 =	vnsel vm7, $0x1, v5  }
0x288: {  	v5 =	vld [tilespmem:s29+$0x8000];
	[tilespmem:s18+$0x181B0] =	vst v0;
	v0 =	vsel vm2, $0x0, v1;
	v1 =	vnsel vm6, $0x1, v2;
	vm2 =	vlt.u32 v6, $0x3E8  }
0x289: {  	v2 =	vadd.s32 $0x2, v6;
	[tilespmem:s18+$0x181C0] =	vst v0;
	v0 =	vsel vm0, $0x0, v1;
	v1 =	vnsel vm4, $0x1, v4  }
0x28a: {  	vm0 =	veq.s32 v6, $0x1;
	[tilespmem:s18+$0x181D0] =	vst v0;
	v0 =	vsel vm1, $0x0, v1;
	v1 =	vnsel vm2, $0x1, v2  }
0x28b: {  	s25 =	sadd.s32 $0x180, s19;
	s19 =	smov.u32 s21;
	s21 =	smov.u32 s0;
	vm1 =	vlt.u32 v3, $0x3E8;
	v2 =	vadd.s32 $0x2, v3;
	[tilespmem:s18+$0x181E0] =	vst v0;
	v0 =	vsel vm0, $0x0, v1  }
0x28c: {  	s0 =	sor.u32 $0x400, s25;
	vm0 =	veq.s32 v3, $0x1;
	v1 =	vnsel vm1, $0x1, v2;
	[tilespmem:s18+$0x181F0] =	vst v0;
	s18 =	smov.u32 s20;
	s20 =	smov.u32 s26  }
0x28d: {  	v0 =	vsel vm0, $0x0, v1;
	vm0 =	vlt.u32 v5, $0x3E8;
	v1 =	vadd.s32 $0x2, v5;
	v2 =	vld [tilespmem:s0+$0x8000]  }
0x28e: {  	[tilespmem:s1+$0x18000] =	vst v0;
	s1 =	sor.u32 $0x410, s21;
	v0 =	vnsel vm0, $0x1, v1;
	vm0 =	veq.s32 v5, $0x1  }
0x28f: {  	v1 =	vld [tilespmem:s1+$0x8000];
	v0 =	vsel vm0, $0x0, v0  }
0x290: {  	[tilespmem:s29+$0x18000] =	vst v0;
	s29 =	sor.u32 $0x430, s28  }
0x291: {  	v0 =	vld [tilespmem:s29+$0x8000]  }
0x292: {  	vm0 =	vlt.u32 v2, $0x3E8;
	v3 =	vadd.s32 $0x2, v2  }
0x293: {  	v3 =	vnsel vm0, $0x1, v3;
	vm0 =	veq.s32 v2, $0x1  }
0x294: {  	vm1 =	vlt.u32 v1, $0x3E8;
	v2 =	vadd.s32 $0x2, v1;
	v3 =	vsel vm0, $0x0, v3  }
0x295: {  	vm0 =	veq.s32 v1, $0x1;
	v2 =	vnsel vm1, $0x1, v2;
	[tilespmem:s0+$0x18000] =	vst v3;
	s0 =	sor.u32 $0x410, s25  }
0x296: {  	v1 =	vsel vm0, $0x0, v2;
	vm0 =	vlt.u32 v0, $0x3E8;
	v2 =	vadd.s32 $0x2, v0;
	v3 =	vld [tilespmem:s0+$0x8000]  }
0x297: {  	[tilespmem:s1+$0x18000] =	vst v1;
	s1 =	sor.u32 $0x420, s21;
	v1 =	vnsel vm0, $0x1, v2;
	vm0 =	veq.s32 v0, $0x1  }
0x298: {  	v0 =	vld [tilespmem:s1+$0x8000];
	v1 =	vsel vm0, $0x0, v1  }
0x299: {  	s28 =	sor.u32 $0x440, s28;
	[tilespmem:s29+$0x18000] =	vst v1  }
0x29a: {  	v2 =	vld.msk [tilespmem:s28+$0x8000], $0xff  }
0x29b: {  	vm0 =	vlt.u32 v3, $0x3E8;
	v4 =	vadd.s32 $0x2, v3  }
0x29c: {  	v4 =	vnsel vm0, $0x1, v4;
	vm0 =	veq.s32 v3, $0x1  }
0x29d: {  	vm1 =	vlt.u32 v0, $0x3E8;
	v3 =	vadd.s32 $0x2, v0;
	v4 =	vsel vm0, $0x0, v4  }
0x29e: {  	vm0 =	veq.s32 v0, $0x1;
	v3 =	vnsel vm1, $0x1, v3;
	[tilespmem:s0+$0x18000] =	vst v4;
	s0 =	sor.u32 $0x420, s25  }
0x29f: {  	v0 =	vsel vm0, $0x0, v3;
	vm0 =	vlt.u32 v2, $0x3E8;
	v3 =	vadd.s32 $0x2, v2;
	v4 =	vld [tilespmem:s0+$0x8000]  }
0x2a0: {  	[tilespmem:s1+$0x18000] =	vst v0;
	v0 =	vnsel vm0, $0x1, v3;
	vm0 =	veq.s32 v2, $0x1  }
0x2a1: {  	s26 =	sor.u32 $0x430, s21;
	v0 =	vsel vm0, $0x0, v0;
	[tilespmem:s29+$0x18000] =	vst v1  }
0x2a2: {  	v1 =	vld [tilespmem:s26+$0x8000];
	[tilespmem:s28+$0x18000] =	vst.msk $0xff, v0  }
0x2a3: {  	v0 =	vld [tilespmem:s18+$0x8100]  }
0x2a4: {  	v2 =	vld [tilespmem:s18+$0x8110];
	vm0 =	vlt.u32 v4, $0x3E8;
	v3 =	vadd.s32 $0x2, v4  }
0x2a5: {  	v5 =	vld [tilespmem:s18+$0x8120];
	v3 =	vnsel vm0, $0x1, v3;
	vm0 =	veq.s32 v4, $0x1  }
0x2a6: {  	v4 =	vld [tilespmem:s18+$0x8130];
	v3 =	vsel vm0, $0x0, v3  }
0x2a7: {  	s28 =	sor.u32 $0x430, s25;
	v6 =	vld [tilespmem:s18+$0x8140];
	[tilespmem:s0+$0x18000] =	vst v3  }
0x2a8: {  	v3 =	vld [tilespmem:s28+$0x8000]  }
0x2a9: {  	vm0 =	vlt.u32 v1, $0x3E8;
	v7 =	vadd.s32 $0x2, v1;
	v8 =	vld [tilespmem:s18+$0x8150]  }
0x2aa: {  	v7 =	vnsel vm0, $0x1, v7;
	vm0 =	veq.s32 v1, $0x1;
	v1 =	vld [tilespmem:s18+$0x8160]  }
0x2ab: {  	vm6 =	veq.s32 v0, $0x1;
	v7 =	vsel vm0, $0x0, v7  }
0x2ac: {  	vm5 =	veq.s32 v2, $0x1;
	vm4 =	veq.s32 v5, $0x1;
	vm3 =	veq.s32 v4, $0x1  }
0x2ad: {  	vm2 =	veq.s32 v6, $0x1;
	vm0 =	vlt.u32 v3, $0x3E8;
	v9 =	vadd.s32 $0x2, v3  }
0x2ae: {  	vm7 =	veq.s32 v3, $0x1;
	vm1 =	veq.s32 v8, $0x1;
	v9 =	vnsel vm0, $0x1, v9  }
0x2af: {  	vm8 =	vlt.u32 v0, $0x3E8;
	vm0 =	veq.s32 v1, $0x1;
	v3 =	vsel vm7, $0x0, v9  }
0x2b0: {  	s0 =	sor.u32 $0x440, s25;
	v0 =	vadd.s32 $0x2, v0;
	vm7 =	vlt.u32 v2, $0x3E8;
	v2 =	vadd.s32 $0x2, v2;
	[tilespmem:s28+$0x18000] =	vst v3  }
0x2b1: {  	vm9 =	vlt.u32 v5, $0x3E8;
	v5 =	vadd.s32 $0x2, v5;
	vm10 =	vlt.u32 v4, $0x3E8;
	v9 =	vld.msk [tilespmem:s0+$0x8000], $0xff  }
0x2b2: {  	v0 =	vnsel vm8, $0x1, v0;
	v4 =	vadd.s32 $0x2, v4;
	vm8 =	vlt.u32 v6, $0x3E8  }
0x2b3: {  	v0 =	vsel vm6, $0x0, v0;
	v6 =	vadd.s32 $0x2, v6;
	v2 =	vnsel vm7, $0x1, v2;
	[tilespmem:s26+$0x18000] =	vst v7  }
0x2b4: {  	[tilespmem:s18+$0x18100] =	vst v0;
	v0 =	vsel vm5, $0x0, v2;
	v2 =	vnsel vm9, $0x1, v5;
	vm5 =	vlt.u32 v8, $0x3E8;
	v5 =	vld [tilespmem:s18+$0x8170]  }
0x2b5: {  	[tilespmem:s18+$0x18110] =	vst v0;
	v0 =	vsel vm4, $0x0, v2;
	v2 =	vnsel vm10, $0x1, v4;
	v4 =	vadd.s32 $0x2, v8  }
0x2b6: {  	[tilespmem:s18+$0x18120] =	vst v0;
	v0 =	vsel vm3, $0x0, v2;
	vm3 =	vlt.u32 v9, $0x3E8;
	v2 =	vadd.s32 $0x2, v9  }
0x2b7: {  	vm4 =	vlt.u32 v1, $0x3E8;
	[tilespmem:s18+$0x18130] =	vst v0;
	v0 =	vnsel vm3, $0x1, v2;
	vm3 =	veq.s32 v9, $0x1  }
0x2b8: {  	v1 =	vadd.s32 $0x2, v1;
	v2 =	vnsel vm8, $0x1, v6;
	v0 =	vsel vm3, $0x0, v0;
	[tilespmem:s28+$0x18000] =	vst v3  }
0x2b9: {  	v2 =	vsel vm2, $0x0, v2;
	v3 =	vnsel vm5, $0x1, v4;
	vm2 =	vlt.u32 v5, $0x3E8;
	[tilespmem:s0+$0x18000] =	vst.msk $0xff, v0  }
0x2ba: {  	v1 =	vnsel vm4, $0x1, v1;
	v0 =	vsel vm1, $0x0, v3;
	[tilespmem:s18+$0x18140] =	vst v2;
	v2 =	vadd.s32 $0x2, v5  }
0x2bb: {  	s0 =	sor.u32 $0x440, s21;
	[tilespmem:s18+$0x18150] =	vst v0;
	v0 =	vsel vm0, $0x0, v1;
	v1 =	vnsel vm2, $0x1, v2;
	vm0 =	veq.s32 v5, $0x1  }
0x2bc: {  	s25 =	sadd.s32 $0x100, s19;
	v2 =	vld.msk [tilespmem:s0+$0x8000], $0xff;
	[tilespmem:s18+$0x18160] =	vst v0;
	v0 =	vsel vm0, $0x0, v1  }
0x2bd: {  	s1 =	sor.u32 $0x400, s25;
	[tilespmem:s18+$0x18170] =	vst v0  }
0x2be: {  	v0 =	vld [tilespmem:s1+$0x8000];
	_ =	sdelay $0x2  }
0x2bf: {  	vm0 =	vlt.u32 v2, $0x3E8;
	v1 =	vadd.s32 $0x2, v2  }
0x2c0: {  	v1 =	vnsel vm0, $0x1, v1;
	vm0 =	veq.s32 v2, $0x1  }
0x2c1: {  	v1 =	vsel vm0, $0x0, v1;
	[tilespmem:s26+$0x18000] =	vst v7;
	vm0 =	vlt.u32 v0, $0x3E8;
	v2 =	vadd.s32 $0x2, v0  }
0x2c2: {  	[tilespmem:s0+$0x18000] =	vst.msk $0xff, v1;
	v1 =	vnsel vm0, $0x1, v2;
	vm0 =	veq.s32 v0, $0x1  }
0x2c3: {  	v3 =	vld [tilespmem:s20+$0x8080];
	v0 =	vsel vm0, $0x0, v1  }
0x2c4: {  	s0 =	sor.u32 $0x410, s25;
	v4 =	vld [tilespmem:s20+$0x8090];
	[tilespmem:s1+$0x18000] =	vst v0  }
0x2c5: {  	v0 =	vld [tilespmem:s0+$0x8000]  }
0x2c6: {  	v5 =	vld [tilespmem:s20+$0x80A0]  }
0x2c7: {  	v8 =	vld [tilespmem:s20+$0x80B0]  }
0x2c8: {  	v9 =	vld [tilespmem:s20+$0x80C0]  }
0x2c9: {  	v2 =	vld [tilespmem:s20+$0x80D0]  }
0x2ca: {  	s22 =	sadd.s32 $0x4, s22;
	v1 =	vld [tilespmem:s20+$0x80E0];
	vm0 =	vlt.u32 v0, $0x3E8;
	v6 =	vadd.s32 $0x2, v0  }
0x2cb: {  	p3 =	slt.u32 s22, $0x7C;
	v6 =	vnsel vm0, $0x1, v6;
	vm0 =	veq.s32 v0, $0x1  }
0x2cc: {  	v0 =	vsel vm0, $0x0, v6  }
0x2cd: {  	s28 =	sor.u32 $0x420, s25;
	vm6 =	veq.s32 v3, $0x1;
	vm5 =	veq.s32 v4, $0x1;
	[tilespmem:s0+$0x18000] =	vst v0  }
.Ltmp1:
0x2ce: {  	vm4 =	veq.s32 v5, $0x1;
	vm3 =	veq.s32 v8, $0x1;
	vm2 =	veq.s32 v9, $0x1;
	v0 =	vld [tilespmem:s28+$0x8000];
	(pc) =	sbr.rel @p3 .LBB2_5-.Ltmp1, $4  }
0x2cf: {  	vm11 =	vlt.u32 v3, $0x3E8;
	vm1 =	veq.s32 v2, $0x1;
	vm0 =	veq.s32 v1, $0x1  }
0x2d0: {  	v7 =	vadd.s32 $0x2, v3;
	vm10 =	vlt.u32 v4, $0x3E8;
	v6 =	vadd.s32 $0x2, v4  }
0x2d1: {  	vm9 =	vlt.u32 v5, $0x3E8;
	v5 =	vadd.s32 $0x2, v5;
	vm8 =	vlt.u32 v8, $0x3E8  }
0x2d2: {  	s23 =	sadd.s32 $0x200, s23;
	s24 =	sadd.s32 $0x400, s24;
	v4 =	vadd.s32 $0x2, v8;
	vm7 =	vlt.u32 v9, $0x3E8;
	v3 =	vadd.s32 $0x2, v9  }
0x2d3: {  	v7 =	vnsel vm11, $0x1, v7  }
0x2d4: {  	v8 =	vld [tilespmem:s20+$0x80F0];
	v6 =	vnsel vm10, $0x1, v6;
	vm11 =	vlt.u32 v2, $0x3E8;
	v7 =	vsel vm6, $0x0, v7  }
0x2d5: {  	v5 =	vnsel vm9, $0x1, v5;
	v17 =	vadd.s32 $0x2, v2;
	v6 =	vsel vm5, $0x0, v6;
	[tilespmem:s20+$0x18080] =	vst v7  }
0x2d6: {  	v4 =	vnsel vm8, $0x1, v4;
	vm12 =	vlt.u32 v1, $0x3E8;
	v5 =	vsel vm4, $0x0, v5;
	[tilespmem:s20+$0x18090] =	vst v6  }
0x2d7: {  	v3 =	vnsel vm7, $0x1, v3;
	v18 =	vadd.s32 $0x2, v1;
	v4 =	vsel vm3, $0x0, v4;
	[tilespmem:s20+$0x180A0] =	vst v5  }
0x2d8: {  	v3 =	vsel vm2, $0x0, v3;
	v2 =	vnsel vm11, $0x1, v17;
	v1 =	vnsel vm12, $0x1, v18;
	[tilespmem:s20+$0x180B0] =	vst v4  }
0x2d9: {  	[tilespmem:s20+$0x180C0] =	vst v3;
	v2 =	vsel vm1, $0x0, v2;
	vm13 =	vlt.u32 v8, $0x3E8;
	v19 =	vadd.s32 $0x2, v8  }
0x2da: {  	v1 =	vsel vm0, $0x0, v1;
	[tilespmem:s20+$0x180D0] =	vst v2;
	vm14 =	veq.s32 v8, $0x1;
	v20 =	vnsel vm13, $0x1, v19  }
0x2db: {  	s0 =	sadd.s32 $0x80, s21;
	[tilespmem:s20+$0x180E0] =	vst v1;
	v21 =	vsel vm14, $0x0, v20  }
0x2dc: {  	s1 =	sor.u32 $0x400, s0;
	[tilespmem:s20+$0x180F0] =	vst v21  }
0x2dd: {  	v1 =	vld [tilespmem:s1+$0x8000];
	_ =	sdelay $0x4  }
0x2de: {  	vm15 =	vlt.u32 v1, $0x3E8;
	v22 =	vadd.s32 $0x2, v1  }
0x2df: {  	vm4 =	veq.s32 v1, $0x1;
	v2 =	vnsel vm15, $0x1, v22  }
0x2e0: {  	v1 =	vsel vm4, $0x0, v2  }
0x2e1: {  	s30 =	sor.u32 $0x410, s0;
	[tilespmem:s1+$0x18000] =	vst v1  }
0x2e2: {  	v1 =	vld [tilespmem:s30+$0x8000];
	_ =	sdelay $0x4  }
0x2e3: {  	vm5 =	vlt.u32 v1, $0x3E8;
	v23 =	vadd.s32 $0x2, v1  }
0x2e4: {  	vm6 =	veq.s32 v1, $0x1;
	v2 =	vnsel vm5, $0x1, v23  }
0x2e5: {  	v1 =	vsel vm6, $0x0, v2  }
0x2e6: {  	s31 =	sor.u32 $0x420, s0;
	[tilespmem:s30+$0x18000] =	vst v1  }
0x2e7: {  	v1 =	vld [tilespmem:s31+$0x8000];
	_ =	sdelay $0x4  }
0x2e8: {  	vm7 =	vlt.u32 v1, $0x3E8;
	v24 =	vadd.s32 $0x2, v1  }
0x2e9: {  	vm8 =	veq.s32 v1, $0x1;
	v2 =	vnsel vm7, $0x1, v24  }
0x2ea: {  	v1 =	vsel vm8, $0x0, v2  }
0x2eb: {  	s22 =	sor.u32 $0x430, s0;
	[tilespmem:s31+$0x18000] =	vst v1  }
0x2ec: {  	v1 =	vld [tilespmem:s22+$0x8000];
	_ =	sdelay $0x4  }
0x2ed: {  	vm9 =	vlt.u32 v1, $0x3E8;
	v25 =	vadd.s32 $0x2, v1  }
0x2ee: {  	vm10 =	veq.s32 v1, $0x1;
	v2 =	vnsel vm9, $0x1, v25  }
0x2ef: {  	v1 =	vsel vm10, $0x0, v2  }
0x2f0: {  	s0 =	sor.u32 $0x440, s0;
	[tilespmem:s22+$0x18000] =	vst v1  }
0x2f1: {  	v26 =	vld.msk [tilespmem:s0+$0x8000], $0xff;
	_ =	sdelay $0x4  }
0x2f2: {  	vm11 =	vlt.u32 v26, $0x3E8;
	v27 =	vadd.s32 $0x2, v26  }
0x2f3: {  	vm12 =	veq.s32 v26, $0x1;
	v3 =	vnsel vm11, $0x1, v27  }
0x2f4: {  	[tilespmem:s22+$0x18000] =	vst v1;
	v2 =	vsel vm12, $0x0, v3  }
0x2f5: {  	[tilespmem:s0+$0x18000] =	vst.msk $0xff, v2  }
0x2f6: {  	v28 =	vld [tilespmem:s20+$0x8100]  }
0x2f7: {  	v2 =	vld [tilespmem:s20+$0x8110]  }
0x2f8: {  	v29 =	vld [tilespmem:s20+$0x8120]  }
0x2f9: {  	v31 =	vld [tilespmem:s20+$0x8140]  }
0x2fa: {  	v32 =	vld [tilespmem:s20+$0x8150]  }
0x2fb: {  	v33 =	vld [tilespmem:s20+$0x8160];
	_ =	sdelay $0x1  }
0x2fc: {  	v30 =	vld [tilespmem:s20+$0x8130]  }
0x2fd: {  	vm13 =	veq.s32 v28, $0x1;
	vm2 =	veq.s32 v2, $0x1;
	vm3 =	veq.s32 v29, $0x1  }
0x2fe: {  	v35 =	vld [tilespmem:s20+$0x8170];
	vm14 =	vlt.u32 v28, $0x3E8;
	v1 =	vadd.s32 $0x2, v28;
	vm5 =	veq.s32 v31, $0x1  }
0x2ff: {  	vm6 =	veq.s32 v32, $0x1;
	vm0 =	veq.s32 v33, $0x1;
	vm15 =	vlt.u32 v2, $0x3E8  }
0x300: {  	v2 =	vadd.s32 $0x2, v2;
	vm12 =	vlt.u32 v29, $0x3E8;
	v3 =	vadd.s32 $0x2, v29  }
0x301: {  	v34 =	vadd.s32 $0x2, v30;
	v5 =	vadd.s32 $0x2, v31;
	v37 =	vadd.s32 $0x2, v32  }
0x302: {  	vm9 =	vlt.u32 v33, $0x3E8;
	v39 =	vadd.s32 $0x2, v33;
	v1 =	vnsel vm14, $0x1, v1  }
0x303: {  	vm10 =	vlt.u32 v35, $0x3E8;
	v2 =	vnsel vm15, $0x1, v2;
	v1 =	vsel vm13, $0x0, v1  }
0x304: {  	v44 =	vadd.s32 $0x2, v35;
	v3 =	vnsel vm12, $0x1, v3;
	v2 =	vsel vm2, $0x0, v2;
	[tilespmem:s20+$0x18100] =	vst v1  }
0x305: {  	vm11 =	veq.s32 v35, $0x1;
	v43 =	vnsel vm9, $0x1, v39;
	v36 =	vsel vm3, $0x0, v3;
	[tilespmem:s20+$0x18110] =	vst v2  }
0x306: {  	vm14 =	vlt.u32 v31, $0x3E8;
	v46 =	vnsel vm10, $0x1, v44;
	v45 =	vsel vm0, $0x0, v43;
	[tilespmem:s20+$0x18120] =	vst v36  }
0x307: {  	vm15 =	vlt.u32 v32, $0x3E8;
	v38 =	vnsel vm14, $0x1, v5;
	v47 =	vsel vm11, $0x0, v46;
	[tilespmem:s20+$0x18160] =	vst v45  }
0x308: {  	vm13 =	vlt.u32 v30, $0x3E8;
	v41 =	vnsel vm15, $0x1, v37;
	v40 =	vsel vm5, $0x0, v38;
	[tilespmem:s20+$0x18170] =	vst v47  }
0x309: {  	vm4 =	veq.s32 v30, $0x1;
	v1 =	vnsel vm13, $0x1, v34;
	v42 =	vsel vm6, $0x0, v41;
	[tilespmem:s20+$0x18140] =	vst v40  }
0x30a: {  	s22 =	sadd.s32 $0x100, s21;
	v1 =	vsel vm4, $0x0, v1;
	[tilespmem:s20+$0x18150] =	vst v42  }
0x30b: {  	s23 =	sor.u32 $0x400, s22;
	[tilespmem:s20+$0x18130] =	vst v1  }
0x30c: {  	v1 =	vld [tilespmem:s23+$0x8000];
	_ =	sdelay $0x4  }
0x30d: {  	vm12 =	vlt.u32 v1, $0x3E8;
	v48 =	vadd.s32 $0x2, v1  }
0x30e: {  	vm13 =	veq.s32 v1, $0x1;
	v2 =	vnsel vm12, $0x1, v48  }
0x30f: {  	v1 =	vsel vm13, $0x0, v2  }
0x310: {  	v49 =	vadd.s32 $0x2, v0;
	s24 =	sor.u32 $0x410, s22;
	vm14 =	vlt.u32 v0, $0x3E8;
	[tilespmem:s23+$0x18000] =	vst v1  }
0x311: {  	vm15 =	veq.s32 v0, $0x1;
	v50 =	vnsel vm14, $0x1, v49;
	v51 =	vld [tilespmem:s24+$0x8000]  }
0x312: {  	v1 =	vsel vm15, $0x0, v50  }
0x313: {  	s26 =	sor.u32 $0x430, s25;
	[tilespmem:s28+$0x18000] =	vst v1  }
0x314: {  	v1 =	vld [tilespmem:s26+$0x8000];
	_ =	sdelay $0x1  }
0x315: {  	vm4 =	vlt.u32 v51, $0x3E8;
	v52 =	vadd.s32 $0x2, v51  }
0x316: {  	vm5 =	veq.s32 v51, $0x1;
	v2 =	vnsel vm4, $0x1, v52  }
0x317: {  	v0 =	vsel vm5, $0x0, v2  }
0x318: {  	s28 =	sor.u32 $0x420, s22;
	vm6 =	vlt.u32 v1, $0x3E8;
	v53 =	vadd.s32 $0x2, v1;
	[tilespmem:s24+$0x18000] =	vst v0  }
0x319: {  	vm7 =	veq.s32 v1, $0x1;
	v54 =	vnsel vm6, $0x1, v53;
	v55 =	vld [tilespmem:s28+$0x8000]  }
0x31a: {  	v0 =	vsel vm7, $0x0, v54  }
0x31b: {  	s23 =	sor.u32 $0x440, s25;
	[tilespmem:s26+$0x18000] =	vst v0  }
0x31c: {  	v56 =	vld.msk [tilespmem:s23+$0x8000], $0xff;
	_ =	sdelay $0x1  }
0x31d: {  	vm8 =	vlt.u32 v55, $0x3E8;
	v57 =	vadd.s32 $0x2, v55  }
0x31e: {  	vm9 =	veq.s32 v55, $0x1;
	v3 =	vnsel vm8, $0x1, v57  }
0x31f: {  	v1 =	vsel vm9, $0x0, v3  }
0x320: {  	s29 =	sor.u32 $0x430, s22;
	vm10 =	vlt.u32 v56, $0x3E8;
	v58 =	vadd.s32 $0x2, v56;
	[tilespmem:s28+$0x18000] =	vst v1  }
0x321: {  	vm11 =	veq.s32 v56, $0x1;
	v59 =	vnsel vm10, $0x1, v58;
	v60 =	vld [tilespmem:s29+$0x8000]  }
0x322: {  	[tilespmem:s26+$0x18000] =	vst v0;
	v1 =	vsel vm11, $0x0, v59  }
0x323: {  	[tilespmem:s23+$0x18000] =	vst.msk $0xff, v1  }
0x324: {  	v61 =	vld [tilespmem:s18+$0x8180]  }
0x325: {  	v1 =	vld [tilespmem:s18+$0x8190]  }
0x326: {  	v62 =	vld [tilespmem:s18+$0x81A0];
	vm12 =	vlt.u32 v60, $0x3E8;
	v12 =	vadd.s32 $0x2, v60  }
0x327: {  	v13 =	vld [tilespmem:s18+$0x81B0];
	vm13 =	veq.s32 v60, $0x1;
	v4 =	vnsel vm12, $0x1, v12  }
0x328: {  	v14 =	vld [tilespmem:s18+$0x81C0];
	v4 =	vsel vm13, $0x0, v4  }
0x329: {  	s30 =	sor.u32 $0x440, s22;
	v15 =	vld [tilespmem:s18+$0x81D0];
	[tilespmem:s29+$0x18000] =	vst v4  }
0x32a: {  	v16 =	vld.msk [tilespmem:s30+$0x8000], $0xff;
	_ =	sdelay $0x1  }
0x32b: {  	v17 =	vld [tilespmem:s18+$0x81E0]  }
0x32c: {  	vm5 =	veq.s32 v61, $0x1;
	vm6 =	veq.s32 v1, $0x1;
	vm4 =	veq.s32 v62, $0x1  }
0x32d: {  	vm3 =	veq.s32 v13, $0x1;
	vm2 =	veq.s32 v14, $0x1;
	vm0 =	veq.s32 v15, $0x1  }
0x32e: {  	v18 =	vld [tilespmem:s18+$0x81F0];
	vm7 =	vlt.u32 v61, $0x3E8;
	vm14 =	vlt.u32 v16, $0x3E8;
	v9 =	vadd.s32 $0x2, v16  }
0x32f: {  	v0 =	vadd.s32 $0x2, v61;
	vm15 =	veq.s32 v16, $0x1;
	v9 =	vnsel vm14, $0x1, v9  }
0x330: {  	vm1 =	veq.s32 v17, $0x1;
	vm12 =	vlt.u32 v1, $0x3E8;
	[tilespmem:s29+$0x18000] =	vst v4;
	v7 =	vsel vm15, $0x0, v9  }
0x331: {  	v1 =	vadd.s32 $0x2, v1;
	v3 =	vadd.s32 $0x2, v62;
	v5 =	vadd.s32 $0x2, v13;
	[tilespmem:s30+$0x18000] =	vst.msk $0xff, v7  }
0x332: {  	v2 =	vadd.s32 $0x2, v14;
	vm9 =	vlt.u32 v15, $0x3E8;
	v6 =	vadd.s32 $0x2, v15;
	v7 =	vld [tilespmem:s20+$0x8180]  }
0x333: {  	vm10 =	vlt.u32 v17, $0x3E8;
	v8 =	vadd.s32 $0x2, v17;
	vm11 =	vlt.u32 v18, $0x3E8;
	v19 =	vld [tilespmem:s20+$0x8190]  }
0x334: {  	vm13 =	vlt.u32 v62, $0x3E8;
	v0 =	vnsel vm7, $0x1, v0;
	v1 =	vnsel vm12, $0x1, v1;
	v10 =	vld [tilespmem:s20+$0x81A0]  }
0x335: {  	vm12 =	veq.s32 v18, $0x1;
	v6 =	vnsel vm9, $0x1, v6;
	v8 =	vnsel vm10, $0x1, v8;
	v11 =	vld [tilespmem:s20+$0x81B0]  }
0x336: {  	v0 =	vsel vm5, $0x0, v0;
	v3 =	vnsel vm13, $0x1, v3;
	v1 =	vsel vm6, $0x0, v1;
	v12 =	vld [tilespmem:s20+$0x81C0]  }
0x337: {  	v21 =	vsel vm0, $0x0, v6;
	v22 =	vsel vm1, $0x0, v8;
	vm14 =	vlt.u32 v13, $0x3E8;
	v13 =	vld [tilespmem:s20+$0x81D0]  }
0x338: {  	v3 =	vsel vm4, $0x0, v3;
	vm15 =	vlt.u32 v14, $0x3E8;
	v14 =	vadd.s32 $0x2, v18;
	v20 =	vld [tilespmem:s20+$0x81E0]  }
0x339: {  	v5 =	vnsel vm14, $0x1, v5;
	v2 =	vnsel vm15, $0x1, v2;
	v14 =	vnsel vm11, $0x1, v14  }
0x33a: {  	[tilespmem:s18+$0x18180] =	vst v0;
	v5 =	vsel vm3, $0x0, v5;
	v2 =	vsel vm2, $0x0, v2;
	v23 =	vsel vm12, $0x0, v14  }
0x33b: {  	[tilespmem:s18+$0x18190] =	vst v1;
	vm4 =	veq.s32 v7, $0x1;
	vm5 =	veq.s32 v19, $0x1;
	vm6 =	veq.s32 v10, $0x1  }
0x33c: {  	[tilespmem:s18+$0x181D0] =	vst v21;
	vm3 =	veq.s32 v11, $0x1;
	vm2 =	veq.s32 v12, $0x1;
	vm1 =	veq.s32 v13, $0x1  }
0x33d: {  	[tilespmem:s18+$0x181E0] =	vst v22;
	v29 =	vld [tilespmem:s20+$0x81F0];
	vm13 =	vlt.u32 v7, $0x3E8;
	v24 =	vadd.s32 $0x2, v7;
	vm0 =	veq.s32 v20, $0x1  }
0x33e: {  	[tilespmem:s18+$0x181A0] =	vst v3;
	vm14 =	vlt.u32 v19, $0x3E8;
	v25 =	vadd.s32 $0x2, v19;
	vm15 =	vlt.u32 v10, $0x3E8  }
0x33f: {  	[tilespmem:s18+$0x181B0] =	vst v5;
	v26 =	vadd.s32 $0x2, v10;
	vm12 =	vlt.u32 v11, $0x3E8;
	v27 =	vadd.s32 $0x2, v11  }
0x340: {  	[tilespmem:s18+$0x181C0] =	vst v2;
	v28 =	vadd.s32 $0x2, v12;
	v31 =	vadd.s32 $0x2, v13;
	v1 =	vnsel vm13, $0x1, v24  }
0x341: {  	[tilespmem:s18+$0x181F0] =	vst v23;
	v35 =	vadd.s32 $0x2, v20;
	v2 =	vnsel vm14, $0x1, v25;
	v1 =	vsel vm4, $0x0, v1  }
0x342: {  	v40 =	vadd.s32 $0x2, v29;
	v0 =	vnsel vm15, $0x1, v26;
	v30 =	vsel vm5, $0x0, v2;
	[tilespmem:s20+$0x18180] =	vst v1  }
0x343: {  	vm13 =	vlt.u32 v12, $0x3E8;
	v32 =	vnsel vm12, $0x1, v27;
	v0 =	vsel vm6, $0x0, v0;
	[tilespmem:s20+$0x18190] =	vst v30  }
0x344: {  	vm14 =	vlt.u32 v13, $0x3E8;
	v33 =	vsel vm3, $0x0, v32;
	v34 =	vnsel vm13, $0x1, v28;
	[tilespmem:s20+$0x181A0] =	vst v0  }
0x345: {  	vm15 =	vlt.u32 v20, $0x3E8;
	v37 =	vnsel vm14, $0x1, v31;
	[tilespmem:s20+$0x181B0] =	vst v33;
	v36 =	vsel vm2, $0x0, v34  }
0x346: {  	s31 =	sadd.s32 $0x180, s19;
	vm6 =	vlt.u32 v29, $0x3E8;
	v39 =	vnsel vm15, $0x1, v35;
	v38 =	vsel vm1, $0x0, v37;
	[tilespmem:s20+$0x181C0] =	vst v36  }
0x347: {  	s19 =	sor.u32 $0x400, s31;
	vm7 =	veq.s32 v29, $0x1;
	v41 =	vsel vm0, $0x0, v39;
	v42 =	vnsel vm6, $0x1, v40;
	[tilespmem:s20+$0x181D0] =	vst v38  }
0x348: {  	s22 =	sadd.s32 $0x180, s21;
	v43 =	vld [tilespmem:s19+$0x8000];
	[tilespmem:s20+$0x181E0] =	vst v41;
	v44 =	vsel vm7, $0x0, v42  }
0x349: {  	s23 =	sor.u32 $0x400, s22;
	[tilespmem:s20+$0x181F0] =	vst v44  }
0x34a: {  	v0 =	vld [tilespmem:s23+$0x8000];
	_ =	sdelay $0x2  }
0x34b: {  	vm8 =	vlt.u32 v43, $0x3E8;
	v45 =	vadd.s32 $0x2, v43  }
0x34c: {  	vm9 =	veq.s32 v43, $0x1;
	v1 =	vnsel vm8, $0x1, v45  }
0x34d: {  	v1 =	vsel vm9, $0x0, v1;
	vm10 =	vlt.u32 v0, $0x3E8;
	v46 =	vadd.s32 $0x2, v0  }
0x34e: {  	s24 =	sor.u32 $0x410, s31;
	[tilespmem:s19+$0x18000] =	vst v1;
	vm11 =	veq.s32 v0, $0x1;
	v47 =	vnsel vm10, $0x1, v46  }
0x34f: {  	v48 =	vld [tilespmem:s24+$0x8000];
	v1 =	vsel vm11, $0x0, v47  }
0x350: {  	s25 =	sor.u32 $0x410, s22;
	[tilespmem:s23+$0x18000] =	vst v1  }
0x351: {  	v1 =	vld [tilespmem:s25+$0x8000];
	_ =	sdelay $0x2  }
0x352: {  	vm12 =	vlt.u32 v48, $0x3E8;
	v49 =	vadd.s32 $0x2, v48  }
0x353: {  	vm13 =	veq.s32 v48, $0x1;
	v2 =	vnsel vm12, $0x1, v49  }
0x354: {  	v0 =	vsel vm13, $0x0, v2;
	vm14 =	vlt.u32 v1, $0x3E8;
	v50 =	vadd.s32 $0x2, v1  }
0x355: {  	s26 =	sor.u32 $0x420, s31;
	[tilespmem:s24+$0x18000] =	vst v0;
	vm15 =	veq.s32 v1, $0x1;
	v51 =	vnsel vm14, $0x1, v50  }
0x356: {  	v52 =	vld [tilespmem:s26+$0x8000];
	v0 =	vsel vm15, $0x0, v51  }
0x357: {  	s28 =	sor.u32 $0x420, s22;
	[tilespmem:s25+$0x18000] =	vst v0  }
0x358: {  	v0 =	vld [tilespmem:s28+$0x8000];
	_ =	sdelay $0x2  }
0x359: {  	vm4 =	vlt.u32 v52, $0x3E8;
	v53 =	vadd.s32 $0x2, v52  }
0x35a: {  	vm5 =	veq.s32 v52, $0x1;
	v2 =	vnsel vm4, $0x1, v53  }
0x35b: {  	v1 =	vsel vm5, $0x0, v2;
	vm6 =	vlt.u32 v0, $0x3E8;
	v54 =	vadd.s32 $0x2, v0  }
0x35c: {  	s29 =	sor.u32 $0x430, s31;
	[tilespmem:s26+$0x18000] =	vst v1;
	vm7 =	veq.s32 v0, $0x1;
	v55 =	vnsel vm6, $0x1, v54  }
0x35d: {  	v56 =	vld [tilespmem:s29+$0x8000];
	v1 =	vsel vm7, $0x0, v55  }
0x35e: {  	s30 =	sor.u32 $0x430, s22;
	[tilespmem:s28+$0x18000] =	vst v1  }
0x35f: {  	v1 =	vld [tilespmem:s30+$0x8000];
	_ =	sdelay $0x2  }
0x360: {  	vm8 =	vlt.u32 v56, $0x3E8;
	v57 =	vadd.s32 $0x2, v56  }
0x361: {  	vm9 =	veq.s32 v56, $0x1;
	v2 =	vnsel vm8, $0x1, v57  }
0x362: {  	v0 =	vsel vm9, $0x0, v2;
	vm10 =	vlt.u32 v1, $0x3E8;
	v58 =	vadd.s32 $0x2, v1  }
0x363: {  	s18 =	sor.u32 $0x440, s31;
	[tilespmem:s29+$0x18000] =	vst v0;
	vm11 =	veq.s32 v1, $0x1;
	v2 =	vnsel vm10, $0x1, v58  }
0x364: {  	v59 =	vld.msk [tilespmem:s18+$0x8000], $0xff;
	v2 =	vsel vm11, $0x0, v2  }
0x365: {  	s19 =	sor.u32 $0x440, s22;
	[tilespmem:s30+$0x18000] =	vst v2  }
0x366: {  	v60 =	vld.msk [tilespmem:s19+$0x8000], $0xff;
	_ =	sdelay $0x2  }
0x367: {  	vm12 =	vlt.u32 v59, $0x3E8;
	v61 =	vadd.s32 $0x2, v59  }
0x368: {  	vm13 =	veq.s32 v59, $0x1;
	v4 =	vnsel vm12, $0x1, v61  }
.Ltmp2:
0x369: {  	[tilespmem:s29+$0x18000] =	vst v0;
	v1 =	vsel vm13, $0x0, v4;
	vm14 =	vlt.u32 v60, $0x3E8;
	v62 =	vadd.s32 $0x2, v60;
	(pc) =	sbr.rel @p1 .LBB2_2-.Ltmp2, $4  }
0x36a: {  	[tilespmem:s18+$0x18000] =	vst.msk $0xff, v1;
	vm15 =	veq.s32 v60, $0x1;
	v0 =	vnsel vm14, $0x1, v62  }
0x36b: {  	p4 =	por $0x0, $0x0;
	[tilespmem:s30+$0x18000] =	vst v2;
	v0 =	vsel vm15, $0x0, v0  }
0x36c: {  	p2 =	por $0x1, $0x1;
	s31 =	sadd.s32 s5, s17;
	s18 =	simm.s32 $0x1;
	[tilespmem:s19+$0x18000] =	vst.msk $0xff, v0  }
0x36d: {  	[hbm4b:s31+s2] =	stream.linear.scatter [tilespmem:s13], [sflag:$0x4], $0x8000, $0x38;
	v63 =	vld [tilespmem:$0x0]  }
0x36e: {  	s16 =	sadd.s32 $0x1, s16  }
0x36f: {  	_ =	swait.ge [sflag:s14], $0x8000;
	p0 =	sne.s32 s16, s9  }
.Ltmp3:
0x370: {  	[sflag:s14] =	ssyncset.done $0x0;
	(pc) =	sbr.rel @p0 .LBB2_1-.Ltmp3, $4  }
0x371: {  	[sflag:s14] =	ssyncadd.s32 $0xFFFF8000  }
0x372: {  	_ =	swait.ge [sflag:s15], $0x8000  }
0x373: {  	[sflag:s15] =	ssyncset.done $0x0  }
0x374: {  	[sflag:s15] =	ssyncadd.s32 $0xFFFF8000  }
0x375: {  	_ =	sfence.sel $0x180000  }
0x376: {  	[bflag:$0x0] =	sbarrier.arrive $0xFFFF  }
0x377: {  	_ =	strace $0x90000047  }
0x378: {  	s0 =	stileid.u32;
	[bflag:$0x2] =	sbarrier.arrive $0xFFFF  }
0x379: {  	p0 =	sne.s32 s0, $0x0;
	s0 =	rddreg [dreg:$0x1]  }
0x37a: {  	s0 =	sadd.s32 @!p0 $0x100000, s0  }
0x37b: {  	[sflag:s0] =	ssyncadd.tile.s32 @!p0 $0x1;
	_ =	shalt  }
.Lfunc_end2:
_tile_overlayer_lowered:
.L_overlay_start_2:
0x37c: {  	(tag) =	ssettag $0x2  }
0x37d: {  	s0 =	rddreg [dreg:$0x0];
	s2 =	stileid.u32  }
0x37e: {  	s1 =	rddreg [dreg:$0x1];
	p0 =	sne.s32 s2, $0x0  }
0x37f: {  	s3 =	rddreg [dreg:$0x2];
	[bflag:$0x3] =	sbarrier.arrive $0xFFFF;
	s2 =	simm.s32 @!p0 $0x1C05  }
0x380: {  	[timem:s3], [sflag:s2] =	dma.local @!p0 [hbm:s0], s1  }
0x381: {  	s0 =	simm.s32 @!p0 $0x5  }
0x382: {  	_ =	swait.ge @!p0 [sflag:s0], s1  }
0x383: {  	s1 =	ssub.s32 @!p0 $0x0, s1;
	[sflag:s0] =	ssyncset.done @!p0 $0x0  }
0x384: {  	[sflag:s0] =	ssyncadd.s32 @!p0 s1  }
0x385: {  	[bflag:$0x3] =	sbarrier.arrive $0xFFFF  }
0x386: {  	_ =	shalt  }

</sc_bundles>
